<compile_context>
chip_gen: v7x
topology: tpu7x:2x2x1
jax: 0.10.2.dev20260603
libtpu: 0.0.44.dev20260713+nightly
codegen_flags: <defaults>
</compile_context>

<pallas_src>
import functools

import jax
import jax.numpy as jnp
from jax import lax
from jax.experimental import pallas as pl
from jax.experimental.pallas import tpu as pltpu
from jax.experimental.pallas import tpu_sc as plsc

VOCAB = 1000
N_EMBD = 16
BATCH = 1024
T = 20
DPAD = 128

NC, NS = 2, 16
NW = NC * NS
B_PER_W = BATCH // NW


def _sc_gather(idx2d, wte_pad):
    mesh = plsc.VectorSubcoreMesh(core_axis_name="c", subcore_axis_name="s")

    @functools.partial(
        pl.kernel,
        mesh=mesh,
        out_type=jax.ShapeDtypeStruct((BATCH, T, DPAD), jnp.float32),
        scratch_types=[
            pltpu.VMEM((B_PER_W, T), jnp.int32),
            pltpu.VMEM((B_PER_W, T, DPAD), jnp.float32),
            pltpu.SemaphoreType.DMA,
        ],
    )
    def k(idx_hbm, wte_hbm, out_hbm, idx_v, rows_v, sem):
        wid = lax.axis_index("s") * NC + lax.axis_index("c")
        base = wid * B_PER_W
        pltpu.sync_copy(idx_hbm.at[pl.ds(base, B_PER_W)], idx_v)
        copies = [
            pltpu.async_copy(
                wte_hbm.at[idx_v.at[b]],
                rows_v.at[b],
                sem,
            )
            for b in range(B_PER_W)
        ]
        for c in copies:
            c.wait()
        pltpu.sync_copy(rows_v, out_hbm.at[pl.ds(base, B_PER_W)])

    return k(idx2d, wte_pad)


def _tc_head(rows3, wte_pad, lm_W, lm_b2d):
    BB = 64

    def body(x_ref, w0_ref, w_ref, b_ref, o_ref):
        w = w_ref[...]
        bias = b_ref[...]
        w0b = jnp.broadcast_to(w0_ref[0:1, :N_EMBD], (BB, N_EMBD))
        e = x_ref[:, :, :N_EMBD]
        for t in range(T):
            cur = e[:, t, :]
            p1 = e[:, t - 1, :] if t >= 1 else w0b
            p2 = e[:, t - 2, :] if t >= 2 else w0b
            h = (cur + p1 + p2) * (1.0 / 3.0)
            o_ref[:, t, :] = (
                jnp.dot(h, w, preferred_element_type=jnp.float32) + bias
            )

    return pl.pallas_call(
        body,
        grid=(BATCH // BB,),
        in_specs=[
            pl.BlockSpec((BB, T, DPAD), lambda i: (i, 0, 0)),
            pl.BlockSpec((8, DPAD), lambda i: (0, 0)),
            pl.BlockSpec((N_EMBD, VOCAB), lambda i: (0, 0)),
            pl.BlockSpec((1, VOCAB), lambda i: (0, 0)),
        ],
        out_specs=pl.BlockSpec((BB, T, VOCAB), lambda i: (i, 0, 0)),
        out_shape=jax.ShapeDtypeStruct((BATCH, T, VOCAB), jnp.float32),
    )(rows3, wte_pad, lm_W, lm_b2d)


def kernel(idx, wte, lm_W, lm_b):
    b, t = idx.shape
    wte_pad = jnp.pad(wte, ((0, 0), (0, DPAD - N_EMBD)))
    rows3 = _sc_gather(idx.astype(jnp.int32), wte_pad)
    return _tc_head(rows3, wte_pad, lm_W, lm_b.reshape(1, VOCAB))

# --- scband reference (transcript-rebuilt; emitter-appended) ---
"""Pipeline reference for scband-cbow-80307298500758 (READ-ONLY COPY).

The authoritative reference and input builder live on the scoring server;
editing this copy changes nothing except your own understanding.
"""

import jax, jax.numpy as jnp
import numpy as np

VOCAB = 1000
N_EMBD = 16
BATCH = 1024
T = 20

def setup_inputs(seed: int = 0) -> dict:
    key = jax.random.key(seed)
    k1, k2, k3 = jax.random.split(key, 3)
    idx = jax.random.randint(k1, (BATCH, T), 0, VOCAB)
    wte = jax.random.normal(k2, (VOCAB, N_EMBD), dtype=jnp.float32) * 0.02
    lm_W = jax.random.normal(k3, (N_EMBD, VOCAB), dtype=jnp.float32) * 0.02
    lm_b = jnp.zeros((VOCAB,), dtype=jnp.float32)
    return {"idx": idx, "wte": wte, "lm_W": lm_W, "lm_b": lm_b}

def reference(idx, wte, lm_W, lm_b):
    b, t = idx.shape
    # torch.cat([zeros(b,2), idx], axis=1).to(int64)
    padded = jnp.concatenate([jnp.zeros((b, 2), dtype=idx.dtype), idx], axis=1)
    # embedding lookup (gather)
    emb = jnp.take(wte, padded, axis=0)  # [b, t+2, d]
    # CBOW: hidden[i] = mean(emb[:, i:i+3]) over window of 3
    hidden = (emb[:, 0:t, :] + emb[:, 1:t + 1, :] + emb[:, 2:t + 2, :]) / 3.0  # [b, t, d]
    logits = hidden @ lm_W + lm_b  # [b, t, vocab]
    return logits

if __name__ == "__main__":
    import jax
    _d = setup_inputs()
    print(jax.jit(kernel)(*tuple(_d.values())))

</pallas_src>

<mosaic_0001>
#map = affine_map<(d0, d1) -> (0, 0)>
#map1 = affine_map<(d0, d1) -> (0, 0, 0)>
module attributes {stable_mosaic.version = 14 : i64} {
  func.func @k(%arg0: i32, %arg1: i32, %arg2: memref<1024x20xi32, #tpu.memory_space<hbm>>, %arg3: memref<1000x128xf32, #tpu.memory_space<hbm>>, %arg4: memref<1024x20x128xf32, #tpu.memory_space<hbm>>, %arg5: memref<32x20xi32, #tpu.memory_space<vmem>>, %arg6: memref<32x20x128xf32, #tpu.memory_space<vmem>>, %arg7: memref<!tpu.dma_semaphore, #tpu.memory_space<semaphore_mem>>) attributes {dimension_semantics = [#tpu.dimension_semantics<core_parallel>, #tpu.dimension_semantics<subcore_parallel>], iteration_bounds = array<i64: 2, 16>, scalar_prefetch = 0 : i64, scratch_operands = 3 : i64, tpu.core_type = #tpu.core_type<sc_vector_subcore>, window_params = [{transform_indices = #map}, {transform_indices = #map}, {transform_indices = #map1}]} {
    %mul3A = arith.constant 2 : i32
    %mul3A_0 = arith.muli %arg1, %mul3A : i32
    %add3A = arith.addi %mul3A_0, %arg0 : i32
    %mul3A_1 = arith.constant 32 : i32
    %mul3A_2 = arith.muli %add3A, %mul3A_1 : i32
    "tpu.region"() ({
      %run_scoped3A = tpu.sem_alloc : memref<!tpu.dma_semaphore, #tpu.memory_space<semaphore_mem>>
      %dma_start3A_769 = arith.constant 0 : i32
      %dma_start3A_770 = tpu.memref_slice %arg2[%mul3A_2, %dma_start3A_769] : memref<1024x20xi32, #tpu.memory_space<hbm>> -> memref<32x20xi32, #tpu.memory_space<hbm>>
      %dma_start3A_771 = arith.constant 0 : i32
      %dma_start3A_772 = tpu.memref_slice %arg2[%mul3A_2, %dma_start3A_771] : memref<1024x20xi32, #tpu.memory_space<hbm>> -> memref<32x20xi32, #tpu.memory_space<hbm>>
      tpu.enqueue_dma source(%dma_start3A_772 : memref<32x20xi32, #tpu.memory_space<hbm>>) target(%arg5 : memref<32x20xi32, #tpu.memory_space<vmem>>) target_semaphore(%run_scoped3A : memref<!tpu.dma_semaphore, #tpu.memory_space<semaphore_mem>>)
      %dma_wait3A_773 = arith.constant 0 : i32
      %dma_wait3A_774 = tpu.memref_slice %arg2[%mul3A_2, %dma_wait3A_773] : memref<1024x20xi32, #tpu.memory_space<hbm>> -> memref<32x20xi32, #tpu.memory_space<hbm>>
      %dma_wait3A_775 = arith.constant 0 : i32
      %dma_wait3A_776 = tpu.memref_slice %arg2[%mul3A_2, %dma_wait3A_775] : memref<1024x20xi32, #tpu.memory_space<hbm>> -> memref<32x20xi32, #tpu.memory_space<hbm>>
      tpu.wait_dma2 semaphore(%run_scoped3A : memref<!tpu.dma_semaphore, #tpu.memory_space<semaphore_mem>>) src(%dma_wait3A_776 : memref<32x20xi32, #tpu.memory_space<hbm>>) dst(%arg5 : memref<32x20xi32, #tpu.memory_space<vmem>>)
      tpu.yield
    }) : () -> ()
    %dma_start3A = arith.constant 0 : i32
    %dma_start3A_3 = arith.constant 0 : i32
    %dma_start3A_4 = arith.constant 0 : i32
    %dma_start3A_5 = arith.constant 0 : i32
    %dma_start3A_6 = tpu.memref_slice %arg6[%dma_start3A_3, %dma_start3A_4, %dma_start3A_5] : memref<32x20x128xf32, #tpu.memory_space<vmem>> -> memref<1x20x128xf32, #tpu.memory_space<vmem>>
    %dma_start3A_7 = tpu.memref_squeeze %dma_start3A_6 : memref<1x20x128xf32, #tpu.memory_space<vmem>> -> memref<20x128xf32, #tpu.memory_space<vmem>>
    %dma_start3A_8 = arith.constant 0 : i32
    %dma_start3A_9 = tpu.memref_slice %arg5[%dma_start3A, %dma_start3A_8] : memref<32x20xi32, #tpu.memory_space<vmem>> -> memref<1x20xi32, #tpu.memory_space<vmem>>
    %dma_start3A_10 = tpu.memref_squeeze %dma_start3A_9 : memref<1x20xi32, #tpu.memory_space<vmem>> -> memref<20xi32, #tpu.memory_space<vmem>>
    %dma_start3A_11 = arith.constant 0 : i32
    %dma_start3A_12 = arith.constant 0 : i32
    %dma_start3A_13 = tpu.memref_slice %arg3[%dma_start3A_11, %dma_start3A_12] : memref<1000x128xf32, #tpu.memory_space<hbm>> -> memref<1000x128xf32, #tpu.memory_space<hbm>>
    tpu.enqueue_indirect_dma source(%dma_start3A_13 : memref<1000x128xf32, #tpu.memory_space<hbm>>) target(%dma_start3A_7 : memref<20x128xf32, #tpu.memory_space<vmem>>) offsets(%dma_start3A_10 : memref<20xi32, #tpu.memory_space<vmem>>) semaphore(%arg7 : memref<!tpu.dma_semaphore, #tpu.memory_space<semaphore_mem>>)
    %dma_start3A_14 = arith.constant 1 : i32
    %dma_start3A_15 = arith.constant 1 : i32
    %dma_start3A_16 = arith.constant 0 : i32
    %dma_start3A_17 = arith.constant 0 : i32
    %dma_start3A_18 = tpu.memref_slice %arg6[%dma_start3A_15, %dma_start3A_16, %dma_start3A_17] : memref<32x20x128xf32, #tpu.memory_space<vmem>> -> memref<1x20x128xf32, #tpu.memory_space<vmem>>
    %dma_start3A_19 = tpu.memref_squeeze %dma_start3A_18 : memref<1x20x128xf32, #tpu.memory_space<vmem>> -> memref<20x128xf32, #tpu.memory_space<vmem>>
    %dma_start3A_20 = arith.constant 0 : i32
    %dma_start3A_21 = tpu.memref_slice %arg5[%dma_start3A_14, %dma_start3A_20] : memref<32x20xi32, #tpu.memory_space<vmem>> -> memref<1x20xi32, #tpu.memory_space<vmem>>
    %dma_start3A_22 = tpu.memref_squeeze %dma_start3A_21 : memref<1x20xi32, #tpu.memory_space<vmem>> -> memref<20xi32, #tpu.memory_space<vmem>>
    %dma_start3A_23 = arith.constant 0 : i32
    %dma_start3A_24 = arith.constant 0 : i32
    %dma_start3A_25 = tpu.memref_slice %arg3[%dma_start3A_23, %dma_start3A_24] : memref<1000x128xf32, #tpu.memory_space<hbm>> -> memref<1000x128xf32, #tpu.memory_space<hbm>>
    tpu.enqueue_indirect_dma source(%dma_start3A_25 : memref<1000x128xf32, #tpu.memory_space<hbm>>) target(%dma_start3A_19 : memref<20x128xf32, #tpu.memory_space<vmem>>) offsets(%dma_start3A_22 : memref<20xi32, #tpu.memory_space<vmem>>) semaphore(%arg7 : memref<!tpu.dma_semaphore, #tpu.memory_space<semaphore_mem>>)
    %dma_start3A_26 = arith.constant 2 : i32
    %dma_start3A_27 = arith.constant 2 : i32
    %dma_start3A_28 = arith.constant 0 : i32
    %dma_start3A_29 = arith.constant 0 : i32
    %dma_start3A_30 = tpu.memref_slice %arg6[%dma_start3A_27, %dma_start3A_28, %dma_start3A_29] : memref<32x20x128xf32, #tpu.memory_space<vmem>> -> memref<1x20x128xf32, #tpu.memory_space<vmem>>
    %dma_start3A_31 = tpu.memref_squeeze %dma_start3A_30 : memref<1x20x128xf32, #tpu.memory_space<vmem>> -> memref<20x128xf32, #tpu.memory_space<vmem>>
    %dma_start3A_32 = arith.constant 0 : i32
    %dma_start3A_33 = tpu.memref_slice %arg5[%dma_start3A_26, %dma_start3A_32] : memref<32x20xi32, #tpu.memory_space<vmem>> -> memref<1x20xi32, #tpu.memory_space<vmem>>
    %dma_start3A_34 = tpu.memref_squeeze %dma_start3A_33 : memref<1x20xi32, #tpu.memory_space<vmem>> -> memref<20xi32, #tpu.memory_space<vmem>>
    %dma_start3A_35 = arith.constant 0 : i32
    %dma_start3A_36 = arith.constant 0 : i32
    %dma_start3A_37 = tpu.memref_slice %arg3[%dma_start3A_35, %dma_start3A_36] : memref<1000x128xf32, #tpu.memory_space<hbm>> -> memref<1000x128xf32, #tpu.memory_space<hbm>>
    tpu.enqueue_indirect_dma source(%dma_start3A_37 : memref<1000x128xf32, #tpu.memory_space<hbm>>) target(%dma_start3A_31 : memref<20x128xf32, #tpu.memory_space<vmem>>) offsets(%dma_start3A_34 : memref<20xi32, #tpu.memory_space<vmem>>) semaphore(%arg7 : memref<!tpu.dma_semaphore, #tpu.memory_space<semaphore_mem>>)
    %dma_start3A_38 = arith.constant 3 : i32
    %dma_start3A_39 = arith.constant 3 : i32
    %dma_start3A_40 = arith.constant 0 : i32
    %dma_start3A_41 = arith.constant 0 : i32
    %dma_start3A_42 = tpu.memref_slice %arg6[%dma_start3A_39, %dma_start3A_40, %dma_start3A_41] : memref<32x20x128xf32, #tpu.memory_space<vmem>> -> memref<1x20x128xf32, #tpu.memory_space<vmem>>
    %dma_start3A_43 = tpu.memref_squeeze %dma_start3A_42 : memref<1x20x128xf32, #tpu.memory_space<vmem>> -> memref<20x128xf32, #tpu.memory_space<vmem>>
    %dma_start3A_44 = arith.constant 0 : i32
    %dma_start3A_45 = tpu.memref_slice %arg5[%dma_start3A_38, %dma_start3A_44] : memref<32x20xi32, #tpu.memory_space<vmem>> -> memref<1x20xi32, #tpu.memory_space<vmem>>
    %dma_start3A_46 = tpu.memref_squeeze %dma_start3A_45 : memref<1x20xi32, #tpu.memory_space<vmem>> -> memref<20xi32, #tpu.memory_space<vmem>>
    %dma_start3A_47 = arith.constant 0 : i32
    %dma_start3A_48 = arith.constant 0 : i32
    %dma_start3A_49 = tpu.memref_slice %arg3[%dma_start3A_47, %dma_start3A_48] : memref<1000x128xf32, #tpu.memory_space<hbm>> -> memref<1000x128xf32, #tpu.memory_space<hbm>>
    tpu.enqueue_indirect_dma source(%dma_start3A_49 : memref<1000x128xf32, #tpu.memory_space<hbm>>) target(%dma_start3A_43 : memref<20x128xf32, #tpu.memory_space<vmem>>) offsets(%dma_start3A_46 : memref<20xi32, #tpu.memory_space<vmem>>) semaphore(%arg7 : memref<!tpu.dma_semaphore, #tpu.memory_space<semaphore_mem>>)
    %dma_start3A_50 = arith.constant 4 : i32
    %dma_start3A_51 = arith.constant 4 : i32
    %dma_start3A_52 = arith.constant 0 : i32
    %dma_start3A_53 = arith.constant 0 : i32
    %dma_start3A_54 = tpu.memref_slice %arg6[%dma_start3A_51, %dma_start3A_52, %dma_start3A_53] : memref<32x20x128xf32, #tpu.memory_space<vmem>> -> memref<1x20x128xf32, #tpu.memory_space<vmem>>
    %dma_start3A_55 = tpu.memref_squeeze %dma_start3A_54 : memref<1x20x128xf32, #tpu.memory_space<vmem>> -> memref<20x128xf32, #tpu.memory_space<vmem>>
    %dma_start3A_56 = arith.constant 0 : i32
    %dma_start3A_57 = tpu.memref_slice %arg5[%dma_start3A_50, %dma_start3A_56] : memref<32x20xi32, #tpu.memory_space<vmem>> -> memref<1x20xi32, #tpu.memory_space<vmem>>
    %dma_start3A_58 = tpu.memref_squeeze %dma_start3A_57 : memref<1x20xi32, #tpu.memory_space<vmem>> -> memref<20xi32, #tpu.memory_space<vmem>>
    %dma_start3A_59 = arith.constant 0 : i32
    %dma_start3A_60 = arith.constant 0 : i32
    %dma_start3A_61 = tpu.memref_slice %arg3[%dma_start3A_59, %dma_start3A_60] : memref<1000x128xf32, #tpu.memory_space<hbm>> -> memref<1000x128xf32, #tpu.memory_space<hbm>>
    tpu.enqueue_indirect_dma source(%dma_start3A_61 : memref<1000x128xf32, #tpu.memory_space<hbm>>) target(%dma_start3A_55 : memref<20x128xf32, #tpu.memory_space<vmem>>) offsets(%dma_start3A_58 : memref<20xi32, #tpu.memory_space<vmem>>) semaphore(%arg7 : memref<!tpu.dma_semaphore, #tpu.memory_space<semaphore_mem>>)
    %dma_start3A_62 = arith.constant 5 : i32
    %dma_start3A_63 = arith.constant 5 : i32
    %dma_start3A_64 = arith.constant 0 : i32
    %dma_start3A_65 = arith.constant 0 : i32
    %dma_start3A_66 = tpu.memref_slice %arg6[%dma_start3A_63, %dma_start3A_64, %dma_start3A_65] : memref<32x20x128xf32, #tpu.memory_space<vmem>> -> memref<1x20x128xf32, #tpu.memory_space<vmem>>
    %dma_start3A_67 = tpu.memref_squeeze %dma_start3A_66 : memref<1x20x128xf32, #tpu.memory_space<vmem>> -> memref<20x128xf32, #tpu.memory_space<vmem>>
    %dma_start3A_68 = arith.constant 0 : i32
    %dma_start3A_69 = tpu.memref_slice %arg5[%dma_start3A_62, %dma_start3A_68] : memref<32x20xi32, #tpu.memory_space<vmem>> -> memref<1x20xi32, #tpu.memory_space<vmem>>
    %dma_start3A_70 = tpu.memref_squeeze %dma_start3A_69 : memref<1x20xi32, #tpu.memory_space<vmem>> -> memref<20xi32, #tpu.memory_space<vmem>>
    %dma_start3A_71 = arith.constant 0 : i32
    %dma_start3A_72 = arith.constant 0 : i32
    %dma_start3A_73 = tpu.memref_slice %arg3[%dma_start3A_71, %dma_start3A_72] : memref<1000x128xf32, #tpu.memory_space<hbm>> -> memref<1000x128xf32, #tpu.memory_space<hbm>>
    tpu.enqueue_indirect_dma source(%dma_start3A_73 : memref<1000x128xf32, #tpu.memory_space<hbm>>) target(%dma_start3A_67 : memref<20x128xf32, #tpu.memory_space<vmem>>) offsets(%dma_start3A_70 : memref<20xi32, #tpu.memory_space<vmem>>) semaphore(%arg7 : memref<!tpu.dma_semaphore, #tpu.memory_space<semaphore_mem>>)
    %dma_start3A_74 = arith.constant 6 : i32
    %dma_start3A_75 = arith.constant 6 : i32
    %dma_start3A_76 = arith.constant 0 : i32
    %dma_start3A_77 = arith.constant 0 : i32
    %dma_start3A_78 = tpu.memref_slice %arg6[%dma_start3A_75, %dma_start3A_76, %dma_start3A_77] : memref<32x20x128xf32, #tpu.memory_space<vmem>> -> memref<1x20x128xf32, #tpu.memory_space<vmem>>
    %dma_start3A_79 = tpu.memref_squeeze %dma_start3A_78 : memref<1x20x128xf32, #tpu.memory_space<vmem>> -> memref<20x128xf32, #tpu.memory_space<vmem>>
    %dma_start3A_80 = arith.constant 0 : i32
    %dma_start3A_81 = tpu.memref_slice %arg5[%dma_start3A_74, %dma_start3A_80] : memref<32x20xi32, #tpu.memory_space<vmem>> -> memref<1x20xi32, #tpu.memory_space<vmem>>
    %dma_start3A_82 = tpu.memref_squeeze %dma_start3A_81 : memref<1x20xi32, #tpu.memory_space<vmem>> -> memref<20xi32, #tpu.memory_space<vmem>>
    %dma_start3A_83 = arith.constant 0 : i32
    %dma_start3A_84 = arith.constant 0 : i32
    %dma_start3A_85 = tpu.memref_slice %arg3[%dma_start3A_83, %dma_start3A_84] : memref<1000x128xf32, #tpu.memory_space<hbm>> -> memref<1000x128xf32, #tpu.memory_space<hbm>>
    tpu.enqueue_indirect_dma source(%dma_start3A_85 : memref<1000x128xf32, #tpu.memory_space<hbm>>) target(%dma_start3A_79 : memref<20x128xf32, #tpu.memory_space<vmem>>) offsets(%dma_start3A_82 : memref<20xi32, #tpu.memory_space<vmem>>) semaphore(%arg7 : memref<!tpu.dma_semaphore, #tpu.memory_space<semaphore_mem>>)
    %dma_start3A_86 = arith.constant 7 : i32
    %dma_start3A_87 = arith.constant 7 : i32
    %dma_start3A_88 = arith.constant 0 : i32
    %dma_start3A_89 = arith.constant 0 : i32
    %dma_start3A_90 = tpu.memref_slice %arg6[%dma_start3A_87, %dma_start3A_88, %dma_start3A_89] : memref<32x20x128xf32, #tpu.memory_space<vmem>> -> memref<1x20x128xf32, #tpu.memory_space<vmem>>
    %dma_start3A_91 = tpu.memref_squeeze %dma_start3A_90 : memref<1x20x128xf32, #tpu.memory_space<vmem>> -> memref<20x128xf32, #tpu.memory_space<vmem>>
    %dma_start3A_92 = arith.constant 0 : i32
    %dma_start3A_93 = tpu.memref_slice %arg5[%dma_start3A_86, %dma_start3A_92] : memref<32x20xi32, #tpu.memory_space<vmem>> -> memref<1x20xi32, #tpu.memory_space<vmem>>
    %dma_start3A_94 = tpu.memref_squeeze %dma_start3A_93 : memref<1x20xi32, #tpu.memory_space<vmem>> -> memref<20xi32, #tpu.memory_space<vmem>>
    %dma_start3A_95 = arith.constant 0 : i32
    %dma_start3A_96 = arith.constant 0 : i32
    %dma_start3A_97 = tpu.memref_slice %arg3[%dma_start3A_95, %dma_start3A_96] : memref<1000x128xf32, #tpu.memory_space<hbm>> -> memref<1000x128xf32, #tpu.memory_space<hbm>>
    tpu.enqueue_indirect_dma source(%dma_start3A_97 : memref<1000x128xf32, #tpu.memory_space<hbm>>) target(%dma_start3A_91 : memref<20x128xf32, #tpu.memory_space<vmem>>) offsets(%dma_start3A_94 : memref<20xi32, #tpu.memory_space<vmem>>) semaphore(%arg7 : memref<!tpu.dma_semaphore, #tpu.memory_space<semaphore_mem>>)
    %dma_start3A_98 = arith.constant 8 : i32
    %dma_start3A_99 = arith.constant 8 : i32
    %dma_start3A_100 = arith.constant 0 : i32
    %dma_start3A_101 = arith.constant 0 : i32
    %dma_start3A_102 = tpu.memref_slice %arg6[%dma_start3A_99, %dma_start3A_100, %dma_start3A_101] : memref<32x20x128xf32, #tpu.memory_space<vmem>> -> memref<1x20x128xf32, #tpu.memory_space<vmem>>
    %dma_start3A_103 = tpu.memref_squeeze %dma_start3A_102 : memref<1x20x128xf32, #tpu.memory_space<vmem>> -> memref<20x128xf32, #tpu.memory_space<vmem>>
    %dma_start3A_104 = arith.constant 0 : i32
    %dma_start3A_105 = tpu.memref_slice %arg5[%dma_start3A_98, %dma_start3A_104] : memref<32x20xi32, #tpu.memory_space<vmem>> -> memref<1x20xi32, #tpu.memory_space<vmem>>
    %dma_start3A_106 = tpu.memref_squeeze %dma_start3A_105 : memref<1x20xi32, #tpu.memory_space<vmem>> -> memref<20xi32, #tpu.memory_space<vmem>>
    %dma_start3A_107 = arith.constant 0 : i32
    %dma_start3A_108 = arith.constant 0 : i32
    %dma_start3A_109 = tpu.memref_slice %arg3[%dma_start3A_107, %dma_start3A_108] : memref<1000x128xf32, #tpu.memory_space<hbm>> -> memref<1000x128xf32, #tpu.memory_space<hbm>>
    tpu.enqueue_indirect_dma source(%dma_start3A_109 : memref<1000x128xf32, #tpu.memory_space<hbm>>) target(%dma_start3A_103 : memref<20x128xf32, #tpu.memory_space<vmem>>) offsets(%dma_start3A_106 : memref<20xi32, #tpu.memory_space<vmem>>) semaphore(%arg7 : memref<!tpu.dma_semaphore, #tpu.memory_space<semaphore_mem>>)
    %dma_start3A_110 = arith.constant 9 : i32
    %dma_start3A_111 = arith.constant 9 : i32
    %dma_start3A_112 = arith.constant 0 : i32
    %dma_start3A_113 = arith.constant 0 : i32
    %dma_start3A_114 = tpu.memref_slice %arg6[%dma_start3A_111, %dma_start3A_112, %dma_start3A_113] : memref<32x20x128xf32, #tpu.memory_space<vmem>> -> memref<1x20x128xf32, #tpu.memory_space<vmem>>
    %dma_start3A_115 = tpu.memref_squeeze %dma_start3A_114 : memref<1x20x128xf32, #tpu.memory_space<vmem>> -> memref<20x128xf32, #tpu.memory_space<vmem>>
    %dma_start3A_116 = arith.constant 0 : i32
    %dma_start3A_117 = tpu.memref_slice %arg5[%dma_start3A_110, %dma_start3A_116] : memref<32x20xi32, #tpu.memory_space<vmem>> -> memref<1x20xi32, #tpu.memory_space<vmem>>
    %dma_start3A_118 = tpu.memref_squeeze %dma_start3A_117 : memref<1x20xi32, #tpu.memory_space<vmem>> -> memref<20xi32, #tpu.memory_space<vmem>>
    %dma_start3A_119 = arith.constant 0 : i32
    %dma_start3A_120 = arith.constant 0 : i32
    %dma_start3A_121 = tpu.memref_slice %arg3[%dma_start3A_119, %dma_start3A_120] : memref<1000x128xf32, #tpu.memory_space<hbm>> -> memref<1000x128xf32, #tpu.memory_space<hbm>>
    tpu.enqueue_indirect_dma source(%dma_start3A_121 : memref<1000x128xf32, #tpu.memory_space<hbm>>) target(%dma_start3A_115 : memref<20x128xf32, #tpu.memory_space<vmem>>) offsets(%dma_start3A_118 : memref<20xi32, #tpu.memory_space<vmem>>) semaphore(%arg7 : memref<!tpu.dma_semaphore, #tpu.memory_space<semaphore_mem>>)
    %dma_start3A_122 = arith.constant 10 : i32
    %dma_start3A_123 = arith.constant 10 : i32
    %dma_start3A_124 = arith.constant 0 : i32
    %dma_start3A_125 = arith.constant 0 : i32
    %dma_start3A_126 = tpu.memref_slice %arg6[%dma_start3A_123, %dma_start3A_124, %dma_start3A_125] : memref<32x20x128xf32, #tpu.memory_space<vmem>> -> memref<1x20x128xf32, #tpu.memory_space<vmem>>
    %dma_start3A_127 = tpu.memref_squeeze %dma_start3A_126 : memref<1x20x128xf32, #tpu.memory_space<vmem>> -> memref<20x128xf32, #tpu.memory_space<vmem>>
    %dma_start3A_128 = arith.constant 0 : i32
    %dma_start3A_129 = tpu.memref_slice %arg5[%dma_start3A_122, %dma_start3A_128] : memref<32x20xi32, #tpu.memory_space<vmem>> -> memref<1x20xi32, #tpu.memory_space<vmem>>
    %dma_start3A_130 = tpu.memref_squeeze %dma_start3A_129 : memref<1x20xi32, #tpu.memory_space<vmem>> -> memref<20xi32, #tpu.memory_space<vmem>>
    %dma_start3A_131 = arith.constant 0 : i32
    %dma_start3A_132 = arith.constant 0 : i32
    %dma_start3A_133 = tpu.memref_slice %arg3[%dma_start3A_131, %dma_start3A_132] : memref<1000x128xf32, #tpu.memory_space<hbm>> -> memref<1000x128xf32, #tpu.memory_space<hbm>>
    tpu.enqueue_indirect_dma source(%dma_start3A_133 : memref<1000x128xf32, #tpu.memory_space<hbm>>) target(%dma_start3A_127 : memref<20x128xf32, #tpu.memory_space<vmem>>) offsets(%dma_start3A_130 : memref<20xi32, #tpu.memory_space<vmem>>) semaphore(%arg7 : memref<!tpu.dma_semaphore, #tpu.memory_space<semaphore_mem>>)
    %dma_start3A_134 = arith.constant 11 : i32
    %dma_start3A_135 = arith.constant 11 : i32
    %dma_start3A_136 = arith.constant 0 : i32
    %dma_start3A_137 = arith.constant 0 : i32
    %dma_start3A_138 = tpu.memref_slice %arg6[%dma_start3A_135, %dma_start3A_136, %dma_start3A_137] : memref<32x20x128xf32, #tpu.memory_space<vmem>> -> memref<1x20x128xf32, #tpu.memory_space<vmem>>
    %dma_start3A_139 = tpu.memref_squeeze %dma_start3A_138 : memref<1x20x128xf32, #tpu.memory_space<vmem>> -> memref<20x128xf32, #tpu.memory_space<vmem>>
    %dma_start3A_140 = arith.constant 0 : i32
    %dma_start3A_141 = tpu.memref_slice %arg5[%dma_start3A_134, %dma_start3A_140] : memref<32x20xi32, #tpu.memory_space<vmem>> -> memref<1x20xi32, #tpu.memory_space<vmem>>
    %dma_start3A_142 = tpu.memref_squeeze %dma_start3A_141 : memref<1x20xi32, #tpu.memory_space<vmem>> -> memref<20xi32, #tpu.memory_space<vmem>>
    %dma_start3A_143 = arith.constant 0 : i32
    %dma_start3A_144 = arith.constant 0 : i32
    %dma_start3A_145 = tpu.memref_slice %arg3[%dma_start3A_143, %dma_start3A_144] : memref<1000x128xf32, #tpu.memory_space<hbm>> -> memref<1000x128xf32, #tpu.memory_space<hbm>>
    tpu.enqueue_indirect_dma source(%dma_start3A_145 : memref<1000x128xf32, #tpu.memory_space<hbm>>) target(%dma_start3A_139 : memref<20x128xf32, #tpu.memory_space<vmem>>) offsets(%dma_start3A_142 : memref<20xi32, #tpu.memory_space<vmem>>) semaphore(%arg7 : memref<!tpu.dma_semaphore, #tpu.memory_space<semaphore_mem>>)
    %dma_start3A_146 = arith.constant 12 : i32
    %dma_start3A_147 = arith.constant 12 : i32
    %dma_start3A_148 = arith.constant 0 : i32
    %dma_start3A_149 = arith.constant 0 : i32
    %dma_start3A_150 = tpu.memref_slice %arg6[%dma_start3A_147, %dma_start3A_148, %dma_start3A_149] : memref<32x20x128xf32, #tpu.memory_space<vmem>> -> memref<1x20x128xf32, #tpu.memory_space<vmem>>
    %dma_start3A_151 = tpu.memref_squeeze %dma_start3A_150 : memref<1x20x128xf32, #tpu.memory_space<vmem>> -> memref<20x128xf32, #tpu.memory_space<vmem>>
    %dma_start3A_152 = arith.constant 0 : i32
    %dma_start3A_153 = tpu.memref_slice %arg5[%dma_start3A_146, %dma_start3A_152] : memref<32x20xi32, #tpu.memory_space<vmem>> -> memref<1x20xi32, #tpu.memory_space<vmem>>
    %dma_start3A_154 = tpu.memref_squeeze %dma_start3A_153 : memref<1x20xi32, #tpu.memory_space<vmem>> -> memref<20xi32, #tpu.memory_space<vmem>>
    %dma_start3A_155 = arith.constant 0 : i32
    %dma_start3A_156 = arith.constant 0 : i32
    %dma_start3A_157 = tpu.memref_slice %arg3[%dma_start3A_155, %dma_start3A_156] : memref<1000x128xf32, #tpu.memory_space<hbm>> -> memref<1000x128xf32, #tpu.memory_space<hbm>>
    tpu.enqueue_indirect_dma source(%dma_start3A_157 : memref<1000x128xf32, #tpu.memory_space<hbm>>) target(%dma_start3A_151 : memref<20x128xf32, #tpu.memory_space<vmem>>) offsets(%dma_start3A_154 : memref<20xi32, #tpu.memory_space<vmem>>) semaphore(%arg7 : memref<!tpu.dma_semaphore, #tpu.memory_space<semaphore_mem>>)
    %dma_start3A_158 = arith.constant 13 : i32
    %dma_start3A_159 = arith.constant 13 : i32
    %dma_start3A_160 = arith.constant 0 : i32
    %dma_start3A_161 = arith.constant 0 : i32
    %dma_start3A_162 = tpu.memref_slice %arg6[%dma_start3A_159, %dma_start3A_160, %dma_start3A_161] : memref<32x20x128xf32, #tpu.memory_space<vmem>> -> memref<1x20x128xf32, #tpu.memory_space<vmem>>
    %dma_start3A_163 = tpu.memref_squeeze %dma_start3A_162 : memref<1x20x128xf32, #tpu.memory_space<vmem>> -> memref<20x128xf32, #tpu.memory_space<vmem>>
    %dma_start3A_164 = arith.constant 0 : i32
    %dma_start3A_165 = tpu.memref_slice %arg5[%dma_start3A_158, %dma_start3A_164] : memref<32x20xi32, #tpu.memory_space<vmem>> -> memref<1x20xi32, #tpu.memory_space<vmem>>
    %dma_start3A_166 = tpu.memref_squeeze %dma_start3A_165 : memref<1x20xi32, #tpu.memory_space<vmem>> -> memref<20xi32, #tpu.memory_space<vmem>>
    %dma_start3A_167 = arith.constant 0 : i32
    %dma_start3A_168 = arith.constant 0 : i32
    %dma_start3A_169 = tpu.memref_slice %arg3[%dma_start3A_167, %dma_start3A_168] : memref<1000x128xf32, #tpu.memory_space<hbm>> -> memref<1000x128xf32, #tpu.memory_space<hbm>>
    tpu.enqueue_indirect_dma source(%dma_start3A_169 : memref<1000x128xf32, #tpu.memory_space<hbm>>) target(%dma_start3A_163 : memref<20x128xf32, #tpu.memory_space<vmem>>) offsets(%dma_start3A_166 : memref<20xi32, #tpu.memory_space<vmem>>) semaphore(%arg7 : memref<!tpu.dma_semaphore, #tpu.memory_space<semaphore_mem>>)
    %dma_start3A_170 = arith.constant 14 : i32
    %dma_start3A_171 = arith.constant 14 : i32
    %dma_start3A_172 = arith.constant 0 : i32
    %dma_start3A_173 = arith.constant 0 : i32
    %dma_start3A_174 = tpu.memref_slice %arg6[%dma_start3A_171, %dma_start3A_172, %dma_start3A_173] : memref<32x20x128xf32, #tpu.memory_space<vmem>> -> memref<1x20x128xf32, #tpu.memory_space<vmem>>
    %dma_start3A_175 = tpu.memref_squeeze %dma_start3A_174 : memref<1x20x128xf32, #tpu.memory_space<vmem>> -> memref<20x128xf32, #tpu.memory_space<vmem>>
    %dma_start3A_176 = arith.constant 0 : i32
    %dma_start3A_177 = tpu.memref_slice %arg5[%dma_start3A_170, %dma_start3A_176] : memref<32x20xi32, #tpu.memory_space<vmem>> -> memref<1x20xi32, #tpu.memory_space<vmem>>
    %dma_start3A_178 = tpu.memref_squeeze %dma_start3A_177 : memref<1x20xi32, #tpu.memory_space<vmem>> -> memref<20xi32, #tpu.memory_space<vmem>>
    %dma_start3A_179 = arith.constant 0 : i32
    %dma_start3A_180 = arith.constant 0 : i32
    %dma_start3A_181 = tpu.memref_slice %arg3[%dma_start3A_179, %dma_start3A_180] : memref<1000x128xf32, #tpu.memory_space<hbm>> -> memref<1000x128xf32, #tpu.memory_space<hbm>>
    tpu.enqueue_indirect_dma source(%dma_start3A_181 : memref<1000x128xf32, #tpu.memory_space<hbm>>) target(%dma_start3A_175 : memref<20x128xf32, #tpu.memory_space<vmem>>) offsets(%dma_start3A_178 : memref<20xi32, #tpu.memory_space<vmem>>) semaphore(%arg7 : memref<!tpu.dma_semaphore, #tpu.memory_space<semaphore_mem>>)
    %dma_start3A_182 = arith.constant 15 : i32
    %dma_start3A_183 = arith.constant 15 : i32
    %dma_start3A_184 = arith.constant 0 : i32
    %dma_start3A_185 = arith.constant 0 : i32
    %dma_start3A_186 = tpu.memref_slice %arg6[%dma_start3A_183, %dma_start3A_184, %dma_start3A_185] : memref<32x20x128xf32, #tpu.memory_space<vmem>> -> memref<1x20x128xf32, #tpu.memory_space<vmem>>
    %dma_start3A_187 = tpu.memref_squeeze %dma_start3A_186 : memref<1x20x128xf32, #tpu.memory_space<vmem>> -> memref<20x128xf32, #tpu.memory_space<vmem>>
    %dma_start3A_188 = arith.constant 0 : i32
    %dma_start3A_189 = tpu.memref_slice %arg5[%dma_start3A_182, %dma_start3A_188] : memref<32x20xi32, #tpu.memory_space<vmem>> -> memref<1x20xi32, #tpu.memory_space<vmem>>
    %dma_start3A_190 = tpu.memref_squeeze %dma_start3A_189 : memref<1x20xi32, #tpu.memory_space<vmem>> -> memref<20xi32, #tpu.memory_space<vmem>>
    %dma_start3A_191 = arith.constant 0 : i32
    %dma_start3A_192 = arith.constant 0 : i32
    %dma_start3A_193 = tpu.memref_slice %arg3[%dma_start3A_191, %dma_start3A_192] : memref<1000x128xf32, #tpu.memory_space<hbm>> -> memref<1000x128xf32, #tpu.memory_space<hbm>>
    tpu.enqueue_indirect_dma source(%dma_start3A_193 : memref<1000x128xf32, #tpu.memory_space<hbm>>) target(%dma_start3A_187 : memref<20x128xf32, #tpu.memory_space<vmem>>) offsets(%dma_start3A_190 : memref<20xi32, #tpu.memory_space<vmem>>) semaphore(%arg7 : memref<!tpu.dma_semaphore, #tpu.memory_space<semaphore_mem>>)
    %dma_start3A_194 = arith.constant 16 : i32
    %dma_start3A_195 = arith.constant 16 : i32
    %dma_start3A_196 = arith.constant 0 : i32
    %dma_start3A_197 = arith.constant 0 : i32
    %dma_start3A_198 = tpu.memref_slice %arg6[%dma_start3A_195, %dma_start3A_196, %dma_start3A_197] : memref<32x20x128xf32, #tpu.memory_space<vmem>> -> memref<1x20x128xf32, #tpu.memory_space<vmem>>
    %dma_start3A_199 = tpu.memref_squeeze %dma_start3A_198 : memref<1x20x128xf32, #tpu.memory_space<vmem>> -> memref<20x128xf32, #tpu.memory_space<vmem>>
    %dma_start3A_200 = arith.constant 0 : i32
    %dma_start3A_201 = tpu.memref_slice %arg5[%dma_start3A_194, %dma_start3A_200] : memref<32x20xi32, #tpu.memory_space<vmem>> -> memref<1x20xi32, #tpu.memory_space<vmem>>
    %dma_start3A_202 = tpu.memref_squeeze %dma_start3A_201 : memref<1x20xi32, #tpu.memory_space<vmem>> -> memref<20xi32, #tpu.memory_space<vmem>>
    %dma_start3A_203 = arith.constant 0 : i32
    %dma_start3A_204 = arith.constant 0 : i32
    %dma_start3A_205 = tpu.memref_slice %arg3[%dma_start3A_203, %dma_start3A_204] : memref<1000x128xf32, #tpu.memory_space<hbm>> -> memref<1000x128xf32, #tpu.memory_space<hbm>>
    tpu.enqueue_indirect_dma source(%dma_start3A_205 : memref<1000x128xf32, #tpu.memory_space<hbm>>) target(%dma_start3A_199 : memref<20x128xf32, #tpu.memory_space<vmem>>) offsets(%dma_start3A_202 : memref<20xi32, #tpu.memory_space<vmem>>) semaphore(%arg7 : memref<!tpu.dma_semaphore, #tpu.memory_space<semaphore_mem>>)
    %dma_start3A_206 = arith.constant 17 : i32
    %dma_start3A_207 = arith.constant 17 : i32
    %dma_start3A_208 = arith.constant 0 : i32
    %dma_start3A_209 = arith.constant 0 : i32
    %dma_start3A_210 = tpu.memref_slice %arg6[%dma_start3A_207, %dma_start3A_208, %dma_start3A_209] : memref<32x20x128xf32, #tpu.memory_space<vmem>> -> memref<1x20x128xf32, #tpu.memory_space<vmem>>
    %dma_start3A_211 = tpu.memref_squeeze %dma_start3A_210 : memref<1x20x128xf32, #tpu.memory_space<vmem>> -> memref<20x128xf32, #tpu.memory_space<vmem>>
    %dma_start3A_212 = arith.constant 0 : i32
    %dma_start3A_213 = tpu.memref_slice %arg5[%dma_start3A_206, %dma_start3A_212] : memref<32x20xi32, #tpu.memory_space<vmem>> -> memref<1x20xi32, #tpu.memory_space<vmem>>
    %dma_start3A_214 = tpu.memref_squeeze %dma_start3A_213 : memref<1x20xi32, #tpu.memory_space<vmem>> -> memref<20xi32, #tpu.memory_space<vmem>>
    %dma_start3A_215 = arith.constant 0 : i32
    %dma_start3A_216 = arith.constant 0 : i32
    %dma_start3A_217 = tpu.memref_slice %arg3[%dma_start3A_215, %dma_start3A_216] : memref<1000x128xf32, #tpu.memory_space<hbm>> -> memref<1000x128xf32, #tpu.memory_space<hbm>>
    tpu.enqueue_indirect_dma source(%dma_start3A_217 : memref<1000x128xf32, #tpu.memory_space<hbm>>) target(%dma_start3A_211 : memref<20x128xf32, #tpu.memory_space<vmem>>) offsets(%dma_start3A_214 : memref<20xi32, #tpu.memory_space<vmem>>) semaphore(%arg7 : memref<!tpu.dma_semaphore, #tpu.memory_space<semaphore_mem>>)
    %dma_start3A_218 = arith.constant 18 : i32
    %dma_start3A_219 = arith.constant 18 : i32
    %dma_start3A_220 = arith.constant 0 : i32
    %dma_start3A_221 = arith.constant 0 : i32
    %dma_start3A_222 = tpu.memref_slice %arg6[%dma_start3A_219, %dma_start3A_220, %dma_start3A_221] : memref<32x20x128xf32, #tpu.memory_space<vmem>> -> memref<1x20x128xf32, #tpu.memory_space<vmem>>
    %dma_start3A_223 = tpu.memref_squeeze %dma_start3A_222 : memref<1x20x128xf32, #tpu.memory_space<vmem>> -> memref<20x128xf32, #tpu.memory_space<vmem>>
    %dma_start3A_224 = arith.constant 0 : i32
    %dma_start3A_225 = tpu.memref_slice %arg5[%dma_start3A_218, %dma_start3A_224] : memref<32x20xi32, #tpu.memory_space<vmem>> -> memref<1x20xi32, #tpu.memory_space<vmem>>
    %dma_start3A_226 = tpu.memref_squeeze %dma_start3A_225 : memref<1x20xi32, #tpu.memory_space<vmem>> -> memref<20xi32, #tpu.memory_space<vmem>>
    %dma_start3A_227 = arith.constant 0 : i32
    %dma_start3A_228 = arith.constant 0 : i32
    %dma_start3A_229 = tpu.memref_slice %arg3[%dma_start3A_227, %dma_start3A_228] : memref<1000x128xf32, #tpu.memory_space<hbm>> -> memref<1000x128xf32, #tpu.memory_space<hbm>>
    tpu.enqueue_indirect_dma source(%dma_start3A_229 : memref<1000x128xf32, #tpu.memory_space<hbm>>) target(%dma_start3A_223 : memref<20x128xf32, #tpu.memory_space<vmem>>) offsets(%dma_start3A_226 : memref<20xi32, #tpu.memory_space<vmem>>) semaphore(%arg7 : memref<!tpu.dma_semaphore, #tpu.memory_space<semaphore_mem>>)
    %dma_start3A_230 = arith.constant 19 : i32
    %dma_start3A_231 = arith.constant 19 : i32
    %dma_start3A_232 = arith.constant 0 : i32
    %dma_start3A_233 = arith.constant 0 : i32
    %dma_start3A_234 = tpu.memref_slice %arg6[%dma_start3A_231, %dma_start3A_232, %dma_start3A_233] : memref<32x20x128xf32, #tpu.memory_space<vmem>> -> memref<1x20x128xf32, #tpu.memory_space<vmem>>
    %dma_start3A_235 = tpu.memref_squeeze %dma_start3A_234 : memref<1x20x128xf32, #tpu.memory_space<vmem>> -> memref<20x128xf32, #tpu.memory_space<vmem>>
    %dma_start3A_236 = arith.constant 0 : i32
    %dma_start3A_237 = tpu.memref_slice %arg5[%dma_start3A_230, %dma_start3A_236] : memref<32x20xi32, #tpu.memory_space<vmem>> -> memref<1x20xi32, #tpu.memory_space<vmem>>
    %dma_start3A_238 = tpu.memref_squeeze %dma_start3A_237 : memref<1x20xi32, #tpu.memory_space<vmem>> -> memref<20xi32, #tpu.memory_space<vmem>>
    %dma_start3A_239 = arith.constant 0 : i32
    %dma_start3A_240 = arith.constant 0 : i32
    %dma_start3A_241 = tpu.memref_slice %arg3[%dma_start3A_239, %dma_start3A_240] : memref<1000x128xf32, #tpu.memory_space<hbm>> -> memref<1000x128xf32, #tpu.memory_space<hbm>>
    tpu.enqueue_indirect_dma source(%dma_start3A_241 : memref<1000x128xf32, #tpu.memory_space<hbm>>) target(%dma_start3A_235 : memref<20x128xf32, #tpu.memory_space<vmem>>) offsets(%dma_start3A_238 : memref<20xi32, #tpu.memory_space<vmem>>) semaphore(%arg7 : memref<!tpu.dma_semaphore, #tpu.memory_space<semaphore_mem>>)
    %dma_start3A_242 = arith.constant 20 : i32
    %dma_start3A_243 = arith.constant 20 : i32
    %dma_start3A_244 = arith.constant 0 : i32
    %dma_start3A_245 = arith.constant 0 : i32
    %dma_start3A_246 = tpu.memref_slice %arg6[%dma_start3A_243, %dma_start3A_244, %dma_start3A_245] : memref<32x20x128xf32, #tpu.memory_space<vmem>> -> memref<1x20x128xf32, #tpu.memory_space<vmem>>
    %dma_start3A_247 = tpu.memref_squeeze %dma_start3A_246 : memref<1x20x128xf32, #tpu.memory_space<vmem>> -> memref<20x128xf32, #tpu.memory_space<vmem>>
    %dma_start3A_248 = arith.constant 0 : i32
    %dma_start3A_249 = tpu.memref_slice %arg5[%dma_start3A_242, %dma_start3A_248] : memref<32x20xi32, #tpu.memory_space<vmem>> -> memref<1x20xi32, #tpu.memory_space<vmem>>
    %dma_start3A_250 = tpu.memref_squeeze %dma_start3A_249 : memref<1x20xi32, #tpu.memory_space<vmem>> -> memref<20xi32, #tpu.memory_space<vmem>>
    %dma_start3A_251 = arith.constant 0 : i32
    %dma_start3A_252 = arith.constant 0 : i32
    %dma_start3A_253 = tpu.memref_slice %arg3[%dma_start3A_251, %dma_start3A_252] : memref<1000x128xf32, #tpu.memory_space<hbm>> -> memref<1000x128xf32, #tpu.memory_space<hbm>>
    tpu.enqueue_indirect_dma source(%dma_start3A_253 : memref<1000x128xf32, #tpu.memory_space<hbm>>) target(%dma_start3A_247 : memref<20x128xf32, #tpu.memory_space<vmem>>) offsets(%dma_start3A_250 : memref<20xi32, #tpu.memory_space<vmem>>) semaphore(%arg7 : memref<!tpu.dma_semaphore, #tpu.memory_space<semaphore_mem>>)
    %dma_start3A_254 = arith.constant 21 : i32
    %dma_start3A_255 = arith.constant 21 : i32
    %dma_start3A_256 = arith.constant 0 : i32
    %dma_start3A_257 = arith.constant 0 : i32
    %dma_start3A_258 = tpu.memref_slice %arg6[%dma_start3A_255, %dma_start3A_256, %dma_start3A_257] : memref<32x20x128xf32, #tpu.memory_space<vmem>> -> memref<1x20x128xf32, #tpu.memory_space<vmem>>
    %dma_start3A_259 = tpu.memref_squeeze %dma_start3A_258 : memref<1x20x128xf32, #tpu.memory_space<vmem>> -> memref<20x128xf32, #tpu.memory_space<vmem>>
    %dma_start3A_260 = arith.constant 0 : i32
    %dma_start3A_261 = tpu.memref_slice %arg5[%dma_start3A_254, %dma_start3A_260] : memref<32x20xi32, #tpu.memory_space<vmem>> -> memref<1x20xi32, #tpu.memory_space<vmem>>
    %dma_start3A_262 = tpu.memref_squeeze %dma_start3A_261 : memref<1x20xi32, #tpu.memory_space<vmem>> -> memref<20xi32, #tpu.memory_space<vmem>>
    %dma_start3A_263 = arith.constant 0 : i32
    %dma_start3A_264 = arith.constant 0 : i32
    %dma_start3A_265 = tpu.memref_slice %arg3[%dma_start3A_263, %dma_start3A_264] : memref<1000x128xf32, #tpu.memory_space<hbm>> -> memref<1000x128xf32, #tpu.memory_space<hbm>>
    tpu.enqueue_indirect_dma source(%dma_start3A_265 : memref<1000x128xf32, #tpu.memory_space<hbm>>) target(%dma_start3A_259 : memref<20x128xf32, #tpu.memory_space<vmem>>) offsets(%dma_start3A_262 : memref<20xi32, #tpu.memory_space<vmem>>) semaphore(%arg7 : memref<!tpu.dma_semaphore, #tpu.memory_space<semaphore_mem>>)
    %dma_start3A_266 = arith.constant 22 : i32
    %dma_start3A_267 = arith.constant 22 : i32
    %dma_start3A_268 = arith.constant 0 : i32
    %dma_start3A_269 = arith.constant 0 : i32
    %dma_start3A_270 = tpu.memref_slice %arg6[%dma_start3A_267, %dma_start3A_268, %dma_start3A_269] : memref<32x20x128xf32, #tpu.memory_space<vmem>> -> memref<1x20x128xf32, #tpu.memory_space<vmem>>
    %dma_start3A_271 = tpu.memref_squeeze %dma_start3A_270 : memref<1x20x128xf32, #tpu.memory_space<vmem>> -> memref<20x128xf32, #tpu.memory_space<vmem>>
    %dma_start3A_272 = arith.constant 0 : i32
    %dma_start3A_273 = tpu.memref_slice %arg5[%dma_start3A_266, %dma_start3A_272] : memref<32x20xi32, #tpu.memory_space<vmem>> -> memref<1x20xi32, #tpu.memory_space<vmem>>
    %dma_start3A_274 = tpu.memref_squeeze %dma_start3A_273 : memref<1x20xi32, #tpu.memory_space<vmem>> -> memref<20xi32, #tpu.memory_space<vmem>>
    %dma_start3A_275 = arith.constant 0 : i32
    %dma_start3A_276 = arith.constant 0 : i32
    %dma_start3A_277 = tpu.memref_slice %arg3[%dma_start3A_275, %dma_start3A_276] : memref<1000x128xf32, #tpu.memory_space<hbm>> -> memref<1000x128xf32, #tpu.memory_space<hbm>>
    tpu.enqueue_indirect_dma source(%dma_start3A_277 : memref<1000x128xf32, #tpu.memory_space<hbm>>) target(%dma_start3A_271 : memref<20x128xf32, #tpu.memory_space<vmem>>) offsets(%dma_start3A_274 : memref<20xi32, #tpu.memory_space<vmem>>) semaphore(%arg7 : memref<!tpu.dma_semaphore, #tpu.memory_space<semaphore_mem>>)
    %dma_start3A_278 = arith.constant 23 : i32
    %dma_start3A_279 = arith.constant 23 : i32
    %dma_start3A_280 = arith.constant 0 : i32
    %dma_start3A_281 = arith.constant 0 : i32
    %dma_start3A_282 = tpu.memref_slice %arg6[%dma_start3A_279, %dma_start3A_280, %dma_start3A_281] : memref<32x20x128xf32, #tpu.memory_space<vmem>> -> memref<1x20x128xf32, #tpu.memory_space<vmem>>
    %dma_start3A_283 = tpu.memref_squeeze %dma_start3A_282 : memref<1x20x128xf32, #tpu.memory_space<vmem>> -> memref<20x128xf32, #tpu.memory_space<vmem>>
    %dma_start3A_284 = arith.constant 0 : i32
    %dma_start3A_285 = tpu.memref_slice %arg5[%dma_start3A_278, %dma_start3A_284] : memref<32x20xi32, #tpu.memory_space<vmem>> -> memref<1x20xi32, #tpu.memory_space<vmem>>
    %dma_start3A_286 = tpu.memref_squeeze %dma_start3A_285 : memref<1x20xi32, #tpu.memory_space<vmem>> -> memref<20xi32, #tpu.memory_space<vmem>>
    %dma_start3A_287 = arith.constant 0 : i32
    %dma_start3A_288 = arith.constant 0 : i32
    %dma_start3A_289 = tpu.memref_slice %arg3[%dma_start3A_287, %dma_start3A_288] : memref<1000x128xf32, #tpu.memory_space<hbm>> -> memref<1000x128xf32, #tpu.memory_space<hbm>>
    tpu.enqueue_indirect_dma source(%dma_start3A_289 : memref<1000x128xf32, #tpu.memory_space<hbm>>) target(%dma_start3A_283 : memref<20x128xf32, #tpu.memory_space<vmem>>) offsets(%dma_start3A_286 : memref<20xi32, #tpu.memory_space<vmem>>) semaphore(%arg7 : memref<!tpu.dma_semaphore, #tpu.memory_space<semaphore_mem>>)
    %dma_start3A_290 = arith.constant 24 : i32
    %dma_start3A_291 = arith.constant 24 : i32
    %dma_start3A_292 = arith.constant 0 : i32
    %dma_start3A_293 = arith.constant 0 : i32
    %dma_start3A_294 = tpu.memref_slice %arg6[%dma_start3A_291, %dma_start3A_292, %dma_start3A_293] : memref<32x20x128xf32, #tpu.memory_space<vmem>> -> memref<1x20x128xf32, #tpu.memory_space<vmem>>
    %dma_start3A_295 = tpu.memref_squeeze %dma_start3A_294 : memref<1x20x128xf32, #tpu.memory_space<vmem>> -> memref<20x128xf32, #tpu.memory_space<vmem>>
    %dma_start3A_296 = arith.constant 0 : i32
    %dma_start3A_297 = tpu.memref_slice %arg5[%dma_start3A_290, %dma_start3A_296] : memref<32x20xi32, #tpu.memory_space<vmem>> -> memref<1x20xi32, #tpu.memory_space<vmem>>
    %dma_start3A_298 = tpu.memref_squeeze %dma_start3A_297 : memref<1x20xi32, #tpu.memory_space<vmem>> -> memref<20xi32, #tpu.memory_space<vmem>>
    %dma_start3A_299 = arith.constant 0 : i32
    %dma_start3A_300 = arith.constant 0 : i32
    %dma_start3A_301 = tpu.memref_slice %arg3[%dma_start3A_299, %dma_start3A_300] : memref<1000x128xf32, #tpu.memory_space<hbm>> -> memref<1000x128xf32, #tpu.memory_space<hbm>>
    tpu.enqueue_indirect_dma source(%dma_start3A_301 : memref<1000x128xf32, #tpu.memory_space<hbm>>) target(%dma_start3A_295 : memref<20x128xf32, #tpu.memory_space<vmem>>) offsets(%dma_start3A_298 : memref<20xi32, #tpu.memory_space<vmem>>) semaphore(%arg7 : memref<!tpu.dma_semaphore, #tpu.memory_space<semaphore_mem>>)
    %dma_start3A_302 = arith.constant 25 : i32
    %dma_start3A_303 = arith.constant 25 : i32
    %dma_start3A_304 = arith.constant 0 : i32
    %dma_start3A_305 = arith.constant 0 : i32
    %dma_start3A_306 = tpu.memref_slice %arg6[%dma_start3A_303, %dma_start3A_304, %dma_start3A_305] : memref<32x20x128xf32, #tpu.memory_space<vmem>> -> memref<1x20x128xf32, #tpu.memory_space<vmem>>
    %dma_start3A_307 = tpu.memref_squeeze %dma_start3A_306 : memref<1x20x128xf32, #tpu.memory_space<vmem>> -> memref<20x128xf32, #tpu.memory_space<vmem>>
    %dma_start3A_308 = arith.constant 0 : i32
    %dma_start3A_309 = tpu.memref_slice %arg5[%dma_start3A_302, %dma_start3A_308] : memref<32x20xi32, #tpu.memory_space<vmem>> -> memref<1x20xi32, #tpu.memory_space<vmem>>
    %dma_start3A_310 = tpu.memref_squeeze %dma_start3A_309 : memref<1x20xi32, #tpu.memory_space<vmem>> -> memref<20xi32, #tpu.memory_space<vmem>>
    %dma_start3A_311 = arith.constant 0 : i32
    %dma_start3A_312 = arith.constant 0 : i32
    %dma_start3A_313 = tpu.memref_slice %arg3[%dma_start3A_311, %dma_start3A_312] : memref<1000x128xf32, #tpu.memory_space<hbm>> -> memref<1000x128xf32, #tpu.memory_space<hbm>>
    tpu.enqueue_indirect_dma source(%dma_start3A_313 : memref<1000x128xf32, #tpu.memory_space<hbm>>) target(%dma_start3A_307 : memref<20x128xf32, #tpu.memory_space<vmem>>) offsets(%dma_start3A_310 : memref<20xi32, #tpu.memory_space<vmem>>) semaphore(%arg7 : memref<!tpu.dma_semaphore, #tpu.memory_space<semaphore_mem>>)
    %dma_start3A_314 = arith.constant 26 : i32
    %dma_start3A_315 = arith.constant 26 : i32
    %dma_start3A_316 = arith.constant 0 : i32
    %dma_start3A_317 = arith.constant 0 : i32
    %dma_start3A_318 = tpu.memref_slice %arg6[%dma_start3A_315, %dma_start3A_316, %dma_start3A_317] : memref<32x20x128xf32, #tpu.memory_space<vmem>> -> memref<1x20x128xf32, #tpu.memory_space<vmem>>
    %dma_start3A_319 = tpu.memref_squeeze %dma_start3A_318 : memref<1x20x128xf32, #tpu.memory_space<vmem>> -> memref<20x128xf32, #tpu.memory_space<vmem>>
    %dma_start3A_320 = arith.constant 0 : i32
    %dma_start3A_321 = tpu.memref_slice %arg5[%dma_start3A_314, %dma_start3A_320] : memref<32x20xi32, #tpu.memory_space<vmem>> -> memref<1x20xi32, #tpu.memory_space<vmem>>
    %dma_start3A_322 = tpu.memref_squeeze %dma_start3A_321 : memref<1x20xi32, #tpu.memory_space<vmem>> -> memref<20xi32, #tpu.memory_space<vmem>>
    %dma_start3A_323 = arith.constant 0 : i32
    %dma_start3A_324 = arith.constant 0 : i32
    %dma_start3A_325 = tpu.memref_slice %arg3[%dma_start3A_323, %dma_start3A_324] : memref<1000x128xf32, #tpu.memory_space<hbm>> -> memref<1000x128xf32, #tpu.memory_space<hbm>>
    tpu.enqueue_indirect_dma source(%dma_start3A_325 : memref<1000x128xf32, #tpu.memory_space<hbm>>) target(%dma_start3A_319 : memref<20x128xf32, #tpu.memory_space<vmem>>) offsets(%dma_start3A_322 : memref<20xi32, #tpu.memory_space<vmem>>) semaphore(%arg7 : memref<!tpu.dma_semaphore, #tpu.memory_space<semaphore_mem>>)
    %dma_start3A_326 = arith.constant 27 : i32
    %dma_start3A_327 = arith.constant 27 : i32
    %dma_start3A_328 = arith.constant 0 : i32
    %dma_start3A_329 = arith.constant 0 : i32
    %dma_start3A_330 = tpu.memref_slice %arg6[%dma_start3A_327, %dma_start3A_328, %dma_start3A_329] : memref<32x20x128xf32, #tpu.memory_space<vmem>> -> memref<1x20x128xf32, #tpu.memory_space<vmem>>
    %dma_start3A_331 = tpu.memref_squeeze %dma_start3A_330 : memref<1x20x128xf32, #tpu.memory_space<vmem>> -> memref<20x128xf32, #tpu.memory_space<vmem>>
    %dma_start3A_332 = arith.constant 0 : i32
    %dma_start3A_333 = tpu.memref_slice %arg5[%dma_start3A_326, %dma_start3A_332] : memref<32x20xi32, #tpu.memory_space<vmem>> -> memref<1x20xi32, #tpu.memory_space<vmem>>
    %dma_start3A_334 = tpu.memref_squeeze %dma_start3A_333 : memref<1x20xi32, #tpu.memory_space<vmem>> -> memref<20xi32, #tpu.memory_space<vmem>>
    %dma_start3A_335 = arith.constant 0 : i32
    %dma_start3A_336 = arith.constant 0 : i32
    %dma_start3A_337 = tpu.memref_slice %arg3[%dma_start3A_335, %dma_start3A_336] : memref<1000x128xf32, #tpu.memory_space<hbm>> -> memref<1000x128xf32, #tpu.memory_space<hbm>>
    tpu.enqueue_indirect_dma source(%dma_start3A_337 : memref<1000x128xf32, #tpu.memory_space<hbm>>) target(%dma_start3A_331 : memref<20x128xf32, #tpu.memory_space<vmem>>) offsets(%dma_start3A_334 : memref<20xi32, #tpu.memory_space<vmem>>) semaphore(%arg7 : memref<!tpu.dma_semaphore, #tpu.memory_space<semaphore_mem>>)
    %dma_start3A_338 = arith.constant 28 : i32
    %dma_start3A_339 = arith.constant 28 : i32
    %dma_start3A_340 = arith.constant 0 : i32
    %dma_start3A_341 = arith.constant 0 : i32
    %dma_start3A_342 = tpu.memref_slice %arg6[%dma_start3A_339, %dma_start3A_340, %dma_start3A_341] : memref<32x20x128xf32, #tpu.memory_space<vmem>> -> memref<1x20x128xf32, #tpu.memory_space<vmem>>
    %dma_start3A_343 = tpu.memref_squeeze %dma_start3A_342 : memref<1x20x128xf32, #tpu.memory_space<vmem>> -> memref<20x128xf32, #tpu.memory_space<vmem>>
    %dma_start3A_344 = arith.constant 0 : i32
    %dma_start3A_345 = tpu.memref_slice %arg5[%dma_start3A_338, %dma_start3A_344] : memref<32x20xi32, #tpu.memory_space<vmem>> -> memref<1x20xi32, #tpu.memory_space<vmem>>
    %dma_start3A_346 = tpu.memref_squeeze %dma_start3A_345 : memref<1x20xi32, #tpu.memory_space<vmem>> -> memref<20xi32, #tpu.memory_space<vmem>>
    %dma_start3A_347 = arith.constant 0 : i32
    %dma_start3A_348 = arith.constant 0 : i32
    %dma_start3A_349 = tpu.memref_slice %arg3[%dma_start3A_347, %dma_start3A_348] : memref<1000x128xf32, #tpu.memory_space<hbm>> -> memref<1000x128xf32, #tpu.memory_space<hbm>>
    tpu.enqueue_indirect_dma source(%dma_start3A_349 : memref<1000x128xf32, #tpu.memory_space<hbm>>) target(%dma_start3A_343 : memref<20x128xf32, #tpu.memory_space<vmem>>) offsets(%dma_start3A_346 : memref<20xi32, #tpu.memory_space<vmem>>) semaphore(%arg7 : memref<!tpu.dma_semaphore, #tpu.memory_space<semaphore_mem>>)
    %dma_start3A_350 = arith.constant 29 : i32
    %dma_start3A_351 = arith.constant 29 : i32
    %dma_start3A_352 = arith.constant 0 : i32
    %dma_start3A_353 = arith.constant 0 : i32
    %dma_start3A_354 = tpu.memref_slice %arg6[%dma_start3A_351, %dma_start3A_352, %dma_start3A_353] : memref<32x20x128xf32, #tpu.memory_space<vmem>> -> memref<1x20x128xf32, #tpu.memory_space<vmem>>
    %dma_start3A_355 = tpu.memref_squeeze %dma_start3A_354 : memref<1x20x128xf32, #tpu.memory_space<vmem>> -> memref<20x128xf32, #tpu.memory_space<vmem>>
    %dma_start3A_356 = arith.constant 0 : i32
    %dma_start3A_357 = tpu.memref_slice %arg5[%dma_start3A_350, %dma_start3A_356] : memref<32x20xi32, #tpu.memory_space<vmem>> -> memref<1x20xi32, #tpu.memory_space<vmem>>
    %dma_start3A_358 = tpu.memref_squeeze %dma_start3A_357 : memref<1x20xi32, #tpu.memory_space<vmem>> -> memref<20xi32, #tpu.memory_space<vmem>>
    %dma_start3A_359 = arith.constant 0 : i32
    %dma_start3A_360 = arith.constant 0 : i32
    %dma_start3A_361 = tpu.memref_slice %arg3[%dma_start3A_359, %dma_start3A_360] : memref<1000x128xf32, #tpu.memory_space<hbm>> -> memref<1000x128xf32, #tpu.memory_space<hbm>>
    tpu.enqueue_indirect_dma source(%dma_start3A_361 : memref<1000x128xf32, #tpu.memory_space<hbm>>) target(%dma_start3A_355 : memref<20x128xf32, #tpu.memory_space<vmem>>) offsets(%dma_start3A_358 : memref<20xi32, #tpu.memory_space<vmem>>) semaphore(%arg7 : memref<!tpu.dma_semaphore, #tpu.memory_space<semaphore_mem>>)
    %dma_start3A_362 = arith.constant 30 : i32
    %dma_start3A_363 = arith.constant 30 : i32
    %dma_start3A_364 = arith.constant 0 : i32
    %dma_start3A_365 = arith.constant 0 : i32
    %dma_start3A_366 = tpu.memref_slice %arg6[%dma_start3A_363, %dma_start3A_364, %dma_start3A_365] : memref<32x20x128xf32, #tpu.memory_space<vmem>> -> memref<1x20x128xf32, #tpu.memory_space<vmem>>
    %dma_start3A_367 = tpu.memref_squeeze %dma_start3A_366 : memref<1x20x128xf32, #tpu.memory_space<vmem>> -> memref<20x128xf32, #tpu.memory_space<vmem>>
    %dma_start3A_368 = arith.constant 0 : i32
    %dma_start3A_369 = tpu.memref_slice %arg5[%dma_start3A_362, %dma_start3A_368] : memref<32x20xi32, #tpu.memory_space<vmem>> -> memref<1x20xi32, #tpu.memory_space<vmem>>
    %dma_start3A_370 = tpu.memref_squeeze %dma_start3A_369 : memref<1x20xi32, #tpu.memory_space<vmem>> -> memref<20xi32, #tpu.memory_space<vmem>>
    %dma_start3A_371 = arith.constant 0 : i32
    %dma_start3A_372 = arith.constant 0 : i32
    %dma_start3A_373 = tpu.memref_slice %arg3[%dma_start3A_371, %dma_start3A_372] : memref<1000x128xf32, #tpu.memory_space<hbm>> -> memref<1000x128xf32, #tpu.memory_space<hbm>>
    tpu.enqueue_indirect_dma source(%dma_start3A_373 : memref<1000x128xf32, #tpu.memory_space<hbm>>) target(%dma_start3A_367 : memref<20x128xf32, #tpu.memory_space<vmem>>) offsets(%dma_start3A_370 : memref<20xi32, #tpu.memory_space<vmem>>) semaphore(%arg7 : memref<!tpu.dma_semaphore, #tpu.memory_space<semaphore_mem>>)
    %dma_start3A_374 = arith.constant 31 : i32
    %dma_start3A_375 = arith.constant 31 : i32
    %dma_start3A_376 = arith.constant 0 : i32
    %dma_start3A_377 = arith.constant 0 : i32
    %dma_start3A_378 = tpu.memref_slice %arg6[%dma_start3A_375, %dma_start3A_376, %dma_start3A_377] : memref<32x20x128xf32, #tpu.memory_space<vmem>> -> memref<1x20x128xf32, #tpu.memory_space<vmem>>
    %dma_start3A_379 = tpu.memref_squeeze %dma_start3A_378 : memref<1x20x128xf32, #tpu.memory_space<vmem>> -> memref<20x128xf32, #tpu.memory_space<vmem>>
    %dma_start3A_380 = arith.constant 0 : i32
    %dma_start3A_381 = tpu.memref_slice %arg5[%dma_start3A_374, %dma_start3A_380] : memref<32x20xi32, #tpu.memory_space<vmem>> -> memref<1x20xi32, #tpu.memory_space<vmem>>
    %dma_start3A_382 = tpu.memref_squeeze %dma_start3A_381 : memref<1x20xi32, #tpu.memory_space<vmem>> -> memref<20xi32, #tpu.memory_space<vmem>>
    %dma_start3A_383 = arith.constant 0 : i32
    %dma_start3A_384 = arith.constant 0 : i32
    %dma_start3A_385 = tpu.memref_slice %arg3[%dma_start3A_383, %dma_start3A_384] : memref<1000x128xf32, #tpu.memory_space<hbm>> -> memref<1000x128xf32, #tpu.memory_space<hbm>>
    tpu.enqueue_indirect_dma source(%dma_start3A_385 : memref<1000x128xf32, #tpu.memory_space<hbm>>) target(%dma_start3A_379 : memref<20x128xf32, #tpu.memory_space<vmem>>) offsets(%dma_start3A_382 : memref<20xi32, #tpu.memory_space<vmem>>) semaphore(%arg7 : memref<!tpu.dma_semaphore, #tpu.memory_space<semaphore_mem>>)
    %dma_wait3A = arith.constant 0 : i32
    %dma_wait3A_386 = arith.constant 0 : i32
    %dma_wait3A_387 = arith.constant 0 : i32
    %dma_wait3A_388 = arith.constant 0 : i32
    %dma_wait3A_389 = tpu.memref_slice %arg6[%dma_wait3A_386, %dma_wait3A_387, %dma_wait3A_388] : memref<32x20x128xf32, #tpu.memory_space<vmem>> -> memref<1x20x128xf32, #tpu.memory_space<vmem>>
    %dma_wait3A_390 = tpu.memref_squeeze %dma_wait3A_389 : memref<1x20x128xf32, #tpu.memory_space<vmem>> -> memref<20x128xf32, #tpu.memory_space<vmem>>
    %dma_wait3A_391 = arith.constant 0 : i32
    %dma_wait3A_392 = tpu.memref_slice %arg5[%dma_wait3A, %dma_wait3A_391] : memref<32x20xi32, #tpu.memory_space<vmem>> -> memref<1x20xi32, #tpu.memory_space<vmem>>
    %dma_wait3A_393 = tpu.memref_squeeze %dma_wait3A_392 : memref<1x20xi32, #tpu.memory_space<vmem>> -> memref<20xi32, #tpu.memory_space<vmem>>
    %dma_wait3A_394 = arith.constant 0 : i32
    %dma_wait3A_395 = arith.constant 0 : i32
    %dma_wait3A_396 = tpu.memref_slice %arg3[%dma_wait3A_394, %dma_wait3A_395] : memref<1000x128xf32, #tpu.memory_space<hbm>> -> memref<1000x128xf32, #tpu.memory_space<hbm>>
    tpu.wait_indirect_dma semaphore(%arg7 : memref<!tpu.dma_semaphore, #tpu.memory_space<semaphore_mem>>) src(%dma_wait3A_396 : memref<1000x128xf32, #tpu.memory_space<hbm>>) dst(%dma_wait3A_390 : memref<20x128xf32, #tpu.memory_space<vmem>>)
    %dma_wait3A_397 = arith.constant 1 : i32
    %dma_wait3A_398 = arith.constant 1 : i32
    %dma_wait3A_399 = arith.constant 0 : i32
    %dma_wait3A_400 = arith.constant 0 : i32
    %dma_wait3A_401 = tpu.memref_slice %arg6[%dma_wait3A_398, %dma_wait3A_399, %dma_wait3A_400] : memref<32x20x128xf32, #tpu.memory_space<vmem>> -> memref<1x20x128xf32, #tpu.memory_space<vmem>>
    %dma_wait3A_402 = tpu.memref_squeeze %dma_wait3A_401 : memref<1x20x128xf32, #tpu.memory_space<vmem>> -> memref<20x128xf32, #tpu.memory_space<vmem>>
    %dma_wait3A_403 = arith.constant 0 : i32
    %dma_wait3A_404 = tpu.memref_slice %arg5[%dma_wait3A_397, %dma_wait3A_403] : memref<32x20xi32, #tpu.memory_space<vmem>> -> memref<1x20xi32, #tpu.memory_space<vmem>>
    %dma_wait3A_405 = tpu.memref_squeeze %dma_wait3A_404 : memref<1x20xi32, #tpu.memory_space<vmem>> -> memref<20xi32, #tpu.memory_space<vmem>>
    %dma_wait3A_406 = arith.constant 0 : i32
    %dma_wait3A_407 = arith.constant 0 : i32
    %dma_wait3A_408 = tpu.memref_slice %arg3[%dma_wait3A_406, %dma_wait3A_407] : memref<1000x128xf32, #tpu.memory_space<hbm>> -> memref<1000x128xf32, #tpu.memory_space<hbm>>
    tpu.wait_indirect_dma semaphore(%arg7 : memref<!tpu.dma_semaphore, #tpu.memory_space<semaphore_mem>>) src(%dma_wait3A_408 : memref<1000x128xf32, #tpu.memory_space<hbm>>) dst(%dma_wait3A_402 : memref<20x128xf32, #tpu.memory_space<vmem>>)
    %dma_wait3A_409 = arith.constant 2 : i32
    %dma_wait3A_410 = arith.constant 2 : i32
    %dma_wait3A_411 = arith.constant 0 : i32
    %dma_wait3A_412 = arith.constant 0 : i32
    %dma_wait3A_413 = tpu.memref_slice %arg6[%dma_wait3A_410, %dma_wait3A_411, %dma_wait3A_412] : memref<32x20x128xf32, #tpu.memory_space<vmem>> -> memref<1x20x128xf32, #tpu.memory_space<vmem>>
    %dma_wait3A_414 = tpu.memref_squeeze %dma_wait3A_413 : memref<1x20x128xf32, #tpu.memory_space<vmem>> -> memref<20x128xf32, #tpu.memory_space<vmem>>
    %dma_wait3A_415 = arith.constant 0 : i32
    %dma_wait3A_416 = tpu.memref_slice %arg5[%dma_wait3A_409, %dma_wait3A_415] : memref<32x20xi32, #tpu.memory_space<vmem>> -> memref<1x20xi32, #tpu.memory_space<vmem>>
    %dma_wait3A_417 = tpu.memref_squeeze %dma_wait3A_416 : memref<1x20xi32, #tpu.memory_space<vmem>> -> memref<20xi32, #tpu.memory_space<vmem>>
    %dma_wait3A_418 = arith.constant 0 : i32
    %dma_wait3A_419 = arith.constant 0 : i32
    %dma_wait3A_420 = tpu.memref_slice %arg3[%dma_wait3A_418, %dma_wait3A_419] : memref<1000x128xf32, #tpu.memory_space<hbm>> -> memref<1000x128xf32, #tpu.memory_space<hbm>>
    tpu.wait_indirect_dma semaphore(%arg7 : memref<!tpu.dma_semaphore, #tpu.memory_space<semaphore_mem>>) src(%dma_wait3A_420 : memref<1000x128xf32, #tpu.memory_space<hbm>>) dst(%dma_wait3A_414 : memref<20x128xf32, #tpu.memory_space<vmem>>)
    %dma_wait3A_421 = arith.constant 3 : i32
    %dma_wait3A_422 = arith.constant 3 : i32
    %dma_wait3A_423 = arith.constant 0 : i32
    %dma_wait3A_424 = arith.constant 0 : i32
    %dma_wait3A_425 = tpu.memref_slice %arg6[%dma_wait3A_422, %dma_wait3A_423, %dma_wait3A_424] : memref<32x20x128xf32, #tpu.memory_space<vmem>> -> memref<1x20x128xf32, #tpu.memory_space<vmem>>
    %dma_wait3A_426 = tpu.memref_squeeze %dma_wait3A_425 : memref<1x20x128xf32, #tpu.memory_space<vmem>> -> memref<20x128xf32, #tpu.memory_space<vmem>>
    %dma_wait3A_427 = arith.constant 0 : i32
    %dma_wait3A_428 = tpu.memref_slice %arg5[%dma_wait3A_421, %dma_wait3A_427] : memref<32x20xi32, #tpu.memory_space<vmem>> -> memref<1x20xi32, #tpu.memory_space<vmem>>
    %dma_wait3A_429 = tpu.memref_squeeze %dma_wait3A_428 : memref<1x20xi32, #tpu.memory_space<vmem>> -> memref<20xi32, #tpu.memory_space<vmem>>
    %dma_wait3A_430 = arith.constant 0 : i32
    %dma_wait3A_431 = arith.constant 0 : i32
    %dma_wait3A_432 = tpu.memref_slice %arg3[%dma_wait3A_430, %dma_wait3A_431] : memref<1000x128xf32, #tpu.memory_space<hbm>> -> memref<1000x128xf32, #tpu.memory_space<hbm>>
    tpu.wait_indirect_dma semaphore(%arg7 : memref<!tpu.dma_semaphore, #tpu.memory_space<semaphore_mem>>) src(%dma_wait3A_432 : memref<1000x128xf32, #tpu.memory_space<hbm>>) dst(%dma_wait3A_426 : memref<20x128xf32, #tpu.memory_space<vmem>>)
    %dma_wait3A_433 = arith.constant 4 : i32
    %dma_wait3A_434 = arith.constant 4 : i32
    %dma_wait3A_435 = arith.constant 0 : i32
    %dma_wait3A_436 = arith.constant 0 : i32
    %dma_wait3A_437 = tpu.memref_slice %arg6[%dma_wait3A_434, %dma_wait3A_435, %dma_wait3A_436] : memref<32x20x128xf32, #tpu.memory_space<vmem>> -> memref<1x20x128xf32, #tpu.memory_space<vmem>>
    %dma_wait3A_438 = tpu.memref_squeeze %dma_wait3A_437 : memref<1x20x128xf32, #tpu.memory_space<vmem>> -> memref<20x128xf32, #tpu.memory_space<vmem>>
    %dma_wait3A_439 = arith.constant 0 : i32
    %dma_wait3A_440 = tpu.memref_slice %arg5[%dma_wait3A_433, %dma_wait3A_439] : memref<32x20xi32, #tpu.memory_space<vmem>> -> memref<1x20xi32, #tpu.memory_space<vmem>>
    %dma_wait3A_441 = tpu.memref_squeeze %dma_wait3A_440 : memref<1x20xi32, #tpu.memory_space<vmem>> -> memref<20xi32, #tpu.memory_space<vmem>>
    %dma_wait3A_442 = arith.constant 0 : i32
    %dma_wait3A_443 = arith.constant 0 : i32
    %dma_wait3A_444 = tpu.memref_slice %arg3[%dma_wait3A_442, %dma_wait3A_443] : memref<1000x128xf32, #tpu.memory_space<hbm>> -> memref<1000x128xf32, #tpu.memory_space<hbm>>
    tpu.wait_indirect_dma semaphore(%arg7 : memref<!tpu.dma_semaphore, #tpu.memory_space<semaphore_mem>>) src(%dma_wait3A_444 : memref<1000x128xf32, #tpu.memory_space<hbm>>) dst(%dma_wait3A_438 : memref<20x128xf32, #tpu.memory_space<vmem>>)
    %dma_wait3A_445 = arith.constant 5 : i32
    %dma_wait3A_446 = arith.constant 5 : i32
    %dma_wait3A_447 = arith.constant 0 : i32
    %dma_wait3A_448 = arith.constant 0 : i32
    %dma_wait3A_449 = tpu.memref_slice %arg6[%dma_wait3A_446, %dma_wait3A_447, %dma_wait3A_448] : memref<32x20x128xf32, #tpu.memory_space<vmem>> -> memref<1x20x128xf32, #tpu.memory_space<vmem>>
    %dma_wait3A_450 = tpu.memref_squeeze %dma_wait3A_449 : memref<1x20x128xf32, #tpu.memory_space<vmem>> -> memref<20x128xf32, #tpu.memory_space<vmem>>
    %dma_wait3A_451 = arith.constant 0 : i32
    %dma_wait3A_452 = tpu.memref_slice %arg5[%dma_wait3A_445, %dma_wait3A_451] : memref<32x20xi32, #tpu.memory_space<vmem>> -> memref<1x20xi32, #tpu.memory_space<vmem>>
    %dma_wait3A_453 = tpu.memref_squeeze %dma_wait3A_452 : memref<1x20xi32, #tpu.memory_space<vmem>> -> memref<20xi32, #tpu.memory_space<vmem>>
    %dma_wait3A_454 = arith.constant 0 : i32
    %dma_wait3A_455 = arith.constant 0 : i32
    %dma_wait3A_456 = tpu.memref_slice %arg3[%dma_wait3A_454, %dma_wait3A_455] : memref<1000x128xf32, #tpu.memory_space<hbm>> -> memref<1000x128xf32, #tpu.memory_space<hbm>>
    tpu.wait_indirect_dma semaphore(%arg7 : memref<!tpu.dma_semaphore, #tpu.memory_space<semaphore_mem>>) src(%dma_wait3A_456 : memref<1000x128xf32, #tpu.memory_space<hbm>>) dst(%dma_wait3A_450 : memref<20x128xf32, #tpu.memory_space<vmem>>)
    %dma_wait3A_457 = arith.constant 6 : i32
    %dma_wait3A_458 = arith.constant 6 : i32
    %dma_wait3A_459 = arith.constant 0 : i32
    %dma_wait3A_460 = arith.constant 0 : i32
    %dma_wait3A_461 = tpu.memref_slice %arg6[%dma_wait3A_458, %dma_wait3A_459, %dma_wait3A_460] : memref<32x20x128xf32, #tpu.memory_space<vmem>> -> memref<1x20x128xf32, #tpu.memory_space<vmem>>
    %dma_wait3A_462 = tpu.memref_squeeze %dma_wait3A_461 : memref<1x20x128xf32, #tpu.memory_space<vmem>> -> memref<20x128xf32, #tpu.memory_space<vmem>>
    %dma_wait3A_463 = arith.constant 0 : i32
    %dma_wait3A_464 = tpu.memref_slice %arg5[%dma_wait3A_457, %dma_wait3A_463] : memref<32x20xi32, #tpu.memory_space<vmem>> -> memref<1x20xi32, #tpu.memory_space<vmem>>
    %dma_wait3A_465 = tpu.memref_squeeze %dma_wait3A_464 : memref<1x20xi32, #tpu.memory_space<vmem>> -> memref<20xi32, #tpu.memory_space<vmem>>
    %dma_wait3A_466 = arith.constant 0 : i32
    %dma_wait3A_467 = arith.constant 0 : i32
    %dma_wait3A_468 = tpu.memref_slice %arg3[%dma_wait3A_466, %dma_wait3A_467] : memref<1000x128xf32, #tpu.memory_space<hbm>> -> memref<1000x128xf32, #tpu.memory_space<hbm>>
    tpu.wait_indirect_dma semaphore(%arg7 : memref<!tpu.dma_semaphore, #tpu.memory_space<semaphore_mem>>) src(%dma_wait3A_468 : memref<1000x128xf32, #tpu.memory_space<hbm>>) dst(%dma_wait3A_462 : memref<20x128xf32, #tpu.memory_space<vmem>>)
    %dma_wait3A_469 = arith.constant 7 : i32
    %dma_wait3A_470 = arith.constant 7 : i32
    %dma_wait3A_471 = arith.constant 0 : i32
    %dma_wait3A_472 = arith.constant 0 : i32
    %dma_wait3A_473 = tpu.memref_slice %arg6[%dma_wait3A_470, %dma_wait3A_471, %dma_wait3A_472] : memref<32x20x128xf32, #tpu.memory_space<vmem>> -> memref<1x20x128xf32, #tpu.memory_space<vmem>>
    %dma_wait3A_474 = tpu.memref_squeeze %dma_wait3A_473 : memref<1x20x128xf32, #tpu.memory_space<vmem>> -> memref<20x128xf32, #tpu.memory_space<vmem>>
    %dma_wait3A_475 = arith.constant 0 : i32
    %dma_wait3A_476 = tpu.memref_slice %arg5[%dma_wait3A_469, %dma_wait3A_475] : memref<32x20xi32, #tpu.memory_space<vmem>> -> memref<1x20xi32, #tpu.memory_space<vmem>>
    %dma_wait3A_477 = tpu.memref_squeeze %dma_wait3A_476 : memref<1x20xi32, #tpu.memory_space<vmem>> -> memref<20xi32, #tpu.memory_space<vmem>>
    %dma_wait3A_478 = arith.constant 0 : i32
    %dma_wait3A_479 = arith.constant 0 : i32
    %dma_wait3A_480 = tpu.memref_slice %arg3[%dma_wait3A_478, %dma_wait3A_479] : memref<1000x128xf32, #tpu.memory_space<hbm>> -> memref<1000x128xf32, #tpu.memory_space<hbm>>
    tpu.wait_indirect_dma semaphore(%arg7 : memref<!tpu.dma_semaphore, #tpu.memory_space<semaphore_mem>>) src(%dma_wait3A_480 : memref<1000x128xf32, #tpu.memory_space<hbm>>) dst(%dma_wait3A_474 : memref<20x128xf32, #tpu.memory_space<vmem>>)
    %dma_wait3A_481 = arith.constant 8 : i32
    %dma_wait3A_482 = arith.constant 8 : i32
    %dma_wait3A_483 = arith.constant 0 : i32
    %dma_wait3A_484 = arith.constant 0 : i32
    %dma_wait3A_485 = tpu.memref_slice %arg6[%dma_wait3A_482, %dma_wait3A_483, %dma_wait3A_484] : memref<32x20x128xf32, #tpu.memory_space<vmem>> -> memref<1x20x128xf32, #tpu.memory_space<vmem>>
    %dma_wait3A_486 = tpu.memref_squeeze %dma_wait3A_485 : memref<1x20x128xf32, #tpu.memory_space<vmem>> -> memref<20x128xf32, #tpu.memory_space<vmem>>
    %dma_wait3A_487 = arith.constant 0 : i32
    %dma_wait3A_488 = tpu.memref_slice %arg5[%dma_wait3A_481, %dma_wait3A_487] : memref<32x20xi32, #tpu.memory_space<vmem>> -> memref<1x20xi32, #tpu.memory_space<vmem>>
    %dma_wait3A_489 = tpu.memref_squeeze %dma_wait3A_488 : memref<1x20xi32, #tpu.memory_space<vmem>> -> memref<20xi32, #tpu.memory_space<vmem>>
    %dma_wait3A_490 = arith.constant 0 : i32
    %dma_wait3A_491 = arith.constant 0 : i32
    %dma_wait3A_492 = tpu.memref_slice %arg3[%dma_wait3A_490, %dma_wait3A_491] : memref<1000x128xf32, #tpu.memory_space<hbm>> -> memref<1000x128xf32, #tpu.memory_space<hbm>>
    tpu.wait_indirect_dma semaphore(%arg7 : memref<!tpu.dma_semaphore, #tpu.memory_space<semaphore_mem>>) src(%dma_wait3A_492 : memref<1000x128xf32, #tpu.memory_space<hbm>>) dst(%dma_wait3A_486 : memref<20x128xf32, #tpu.memory_space<vmem>>)
    %dma_wait3A_493 = arith.constant 9 : i32
    %dma_wait3A_494 = arith.constant 9 : i32
    %dma_wait3A_495 = arith.constant 0 : i32
    %dma_wait3A_496 = arith.constant 0 : i32
    %dma_wait3A_497 = tpu.memref_slice %arg6[%dma_wait3A_494, %dma_wait3A_495, %dma_wait3A_496] : memref<32x20x128xf32, #tpu.memory_space<vmem>> -> memref<1x20x128xf32, #tpu.memory_space<vmem>>
    %dma_wait3A_498 = tpu.memref_squeeze %dma_wait3A_497 : memref<1x20x128xf32, #tpu.memory_space<vmem>> -> memref<20x128xf32, #tpu.memory_space<vmem>>
    %dma_wait3A_499 = arith.constant 0 : i32
    %dma_wait3A_500 = tpu.memref_slice %arg5[%dma_wait3A_493, %dma_wait3A_499] : memref<32x20xi32, #tpu.memory_space<vmem>> -> memref<1x20xi32, #tpu.memory_space<vmem>>
    %dma_wait3A_501 = tpu.memref_squeeze %dma_wait3A_500 : memref<1x20xi32, #tpu.memory_space<vmem>> -> memref<20xi32, #tpu.memory_space<vmem>>
    %dma_wait3A_502 = arith.constant 0 : i32
    %dma_wait3A_503 = arith.constant 0 : i32
    %dma_wait3A_504 = tpu.memref_slice %arg3[%dma_wait3A_502, %dma_wait3A_503] : memref<1000x128xf32, #tpu.memory_space<hbm>> -> memref<1000x128xf32, #tpu.memory_space<hbm>>
    tpu.wait_indirect_dma semaphore(%arg7 : memref<!tpu.dma_semaphore, #tpu.memory_space<semaphore_mem>>) src(%dma_wait3A_504 : memref<1000x128xf32, #tpu.memory_space<hbm>>) dst(%dma_wait3A_498 : memref<20x128xf32, #tpu.memory_space<vmem>>)
    %dma_wait3A_505 = arith.constant 10 : i32
    %dma_wait3A_506 = arith.constant 10 : i32
    %dma_wait3A_507 = arith.constant 0 : i32
    %dma_wait3A_508 = arith.constant 0 : i32
    %dma_wait3A_509 = tpu.memref_slice %arg6[%dma_wait3A_506, %dma_wait3A_507, %dma_wait3A_508] : memref<32x20x128xf32, #tpu.memory_space<vmem>> -> memref<1x20x128xf32, #tpu.memory_space<vmem>>
    %dma_wait3A_510 = tpu.memref_squeeze %dma_wait3A_509 : memref<1x20x128xf32, #tpu.memory_space<vmem>> -> memref<20x128xf32, #tpu.memory_space<vmem>>
    %dma_wait3A_511 = arith.constant 0 : i32
    %dma_wait3A_512 = tpu.memref_slice %arg5[%dma_wait3A_505, %dma_wait3A_511] : memref<32x20xi32, #tpu.memory_space<vmem>> -> memref<1x20xi32, #tpu.memory_space<vmem>>
    %dma_wait3A_513 = tpu.memref_squeeze %dma_wait3A_512 : memref<1x20xi32, #tpu.memory_space<vmem>> -> memref<20xi32, #tpu.memory_space<vmem>>
    %dma_wait3A_514 = arith.constant 0 : i32
    %dma_wait3A_515 = arith.constant 0 : i32
    %dma_wait3A_516 = tpu.memref_slice %arg3[%dma_wait3A_514, %dma_wait3A_515] : memref<1000x128xf32, #tpu.memory_space<hbm>> -> memref<1000x128xf32, #tpu.memory_space<hbm>>
    tpu.wait_indirect_dma semaphore(%arg7 : memref<!tpu.dma_semaphore, #tpu.memory_space<semaphore_mem>>) src(%dma_wait3A_516 : memref<1000x128xf32, #tpu.memory_space<hbm>>) dst(%dma_wait3A_510 : memref<20x128xf32, #tpu.memory_space<vmem>>)
    %dma_wait3A_517 = arith.constant 11 : i32
    %dma_wait3A_518 = arith.constant 11 : i32
    %dma_wait3A_519 = arith.constant 0 : i32
    %dma_wait3A_520 = arith.constant 0 : i32
    %dma_wait3A_521 = tpu.memref_slice %arg6[%dma_wait3A_518, %dma_wait3A_519, %dma_wait3A_520] : memref<32x20x128xf32, #tpu.memory_space<vmem>> -> memref<1x20x128xf32, #tpu.memory_space<vmem>>
    %dma_wait3A_522 = tpu.memref_squeeze %dma_wait3A_521 : memref<1x20x128xf32, #tpu.memory_space<vmem>> -> memref<20x128xf32, #tpu.memory_space<vmem>>
    %dma_wait3A_523 = arith.constant 0 : i32
    %dma_wait3A_524 = tpu.memref_slice %arg5[%dma_wait3A_517, %dma_wait3A_523] : memref<32x20xi32, #tpu.memory_space<vmem>> -> memref<1x20xi32, #tpu.memory_space<vmem>>
    %dma_wait3A_525 = tpu.memref_squeeze %dma_wait3A_524 : memref<1x20xi32, #tpu.memory_space<vmem>> -> memref<20xi32, #tpu.memory_space<vmem>>
    %dma_wait3A_526 = arith.constant 0 : i32
    %dma_wait3A_527 = arith.constant 0 : i32
    %dma_wait3A_528 = tpu.memref_slice %arg3[%dma_wait3A_526, %dma_wait3A_527] : memref<1000x128xf32, #tpu.memory_space<hbm>> -> memref<1000x128xf32, #tpu.memory_space<hbm>>
    tpu.wait_indirect_dma semaphore(%arg7 : memref<!tpu.dma_semaphore, #tpu.memory_space<semaphore_mem>>) src(%dma_wait3A_528 : memref<1000x128xf32, #tpu.memory_space<hbm>>) dst(%dma_wait3A_522 : memref<20x128xf32, #tpu.memory_space<vmem>>)
    %dma_wait3A_529 = arith.constant 12 : i32
    %dma_wait3A_530 = arith.constant 12 : i32
    %dma_wait3A_531 = arith.constant 0 : i32
    %dma_wait3A_532 = arith.constant 0 : i32
    %dma_wait3A_533 = tpu.memref_slice %arg6[%dma_wait3A_530, %dma_wait3A_531, %dma_wait3A_532] : memref<32x20x128xf32, #tpu.memory_space<vmem>> -> memref<1x20x128xf32, #tpu.memory_space<vmem>>
    %dma_wait3A_534 = tpu.memref_squeeze %dma_wait3A_533 : memref<1x20x128xf32, #tpu.memory_space<vmem>> -> memref<20x128xf32, #tpu.memory_space<vmem>>
    %dma_wait3A_535 = arith.constant 0 : i32
    %dma_wait3A_536 = tpu.memref_slice %arg5[%dma_wait3A_529, %dma_wait3A_535] : memref<32x20xi32, #tpu.memory_space<vmem>> -> memref<1x20xi32, #tpu.memory_space<vmem>>
    %dma_wait3A_537 = tpu.memref_squeeze %dma_wait3A_536 : memref<1x20xi32, #tpu.memory_space<vmem>> -> memref<20xi32, #tpu.memory_space<vmem>>
    %dma_wait3A_538 = arith.constant 0 : i32
    %dma_wait3A_539 = arith.constant 0 : i32
    %dma_wait3A_540 = tpu.memref_slice %arg3[%dma_wait3A_538, %dma_wait3A_539] : memref<1000x128xf32, #tpu.memory_space<hbm>> -> memref<1000x128xf32, #tpu.memory_space<hbm>>
    tpu.wait_indirect_dma semaphore(%arg7 : memref<!tpu.dma_semaphore, #tpu.memory_space<semaphore_mem>>) src(%dma_wait3A_540 : memref<1000x128xf32, #tpu.memory_space<hbm>>) dst(%dma_wait3A_534 : memref<20x128xf32, #tpu.memory_space<vmem>>)
    %dma_wait3A_541 = arith.constant 13 : i32
    %dma_wait3A_542 = arith.constant 13 : i32
    %dma_wait3A_543 = arith.constant 0 : i32
    %dma_wait3A_544 = arith.constant 0 : i32
    %dma_wait3A_545 = tpu.memref_slice %arg6[%dma_wait3A_542, %dma_wait3A_543, %dma_wait3A_544] : memref<32x20x128xf32, #tpu.memory_space<vmem>> -> memref<1x20x128xf32, #tpu.memory_space<vmem>>
    %dma_wait3A_546 = tpu.memref_squeeze %dma_wait3A_545 : memref<1x20x128xf32, #tpu.memory_space<vmem>> -> memref<20x128xf32, #tpu.memory_space<vmem>>
    %dma_wait3A_547 = arith.constant 0 : i32
    %dma_wait3A_548 = tpu.memref_slice %arg5[%dma_wait3A_541, %dma_wait3A_547] : memref<32x20xi32, #tpu.memory_space<vmem>> -> memref<1x20xi32, #tpu.memory_space<vmem>>
    %dma_wait3A_549 = tpu.memref_squeeze %dma_wait3A_548 : memref<1x20xi32, #tpu.memory_space<vmem>> -> memref<20xi32, #tpu.memory_space<vmem>>
    %dma_wait3A_550 = arith.constant 0 : i32
    %dma_wait3A_551 = arith.constant 0 : i32
    %dma_wait3A_552 = tpu.memref_slice %arg3[%dma_wait3A_550, %dma_wait3A_551] : memref<1000x128xf32, #tpu.memory_space<hbm>> -> memref<1000x128xf32, #tpu.memory_space<hbm>>
    tpu.wait_indirect_dma semaphore(%arg7 : memref<!tpu.dma_semaphore, #tpu.memory_space<semaphore_mem>>) src(%dma_wait3A_552 : memref<1000x128xf32, #tpu.memory_space<hbm>>) dst(%dma_wait3A_546 : memref<20x128xf32, #tpu.memory_space<vmem>>)
    %dma_wait3A_553 = arith.constant 14 : i32
    %dma_wait3A_554 = arith.constant 14 : i32
    %dma_wait3A_555 = arith.constant 0 : i32
    %dma_wait3A_556 = arith.constant 0 : i32
    %dma_wait3A_557 = tpu.memref_slice %arg6[%dma_wait3A_554, %dma_wait3A_555, %dma_wait3A_556] : memref<32x20x128xf32, #tpu.memory_space<vmem>> -> memref<1x20x128xf32, #tpu.memory_space<vmem>>
    %dma_wait3A_558 = tpu.memref_squeeze %dma_wait3A_557 : memref<1x20x128xf32, #tpu.memory_space<vmem>> -> memref<20x128xf32, #tpu.memory_space<vmem>>
    %dma_wait3A_559 = arith.constant 0 : i32
    %dma_wait3A_560 = tpu.memref_slice %arg5[%dma_wait3A_553, %dma_wait3A_559] : memref<32x20xi32, #tpu.memory_space<vmem>> -> memref<1x20xi32, #tpu.memory_space<vmem>>
    %dma_wait3A_561 = tpu.memref_squeeze %dma_wait3A_560 : memref<1x20xi32, #tpu.memory_space<vmem>> -> memref<20xi32, #tpu.memory_space<vmem>>
    %dma_wait3A_562 = arith.constant 0 : i32
    %dma_wait3A_563 = arith.constant 0 : i32
    %dma_wait3A_564 = tpu.memref_slice %arg3[%dma_wait3A_562, %dma_wait3A_563] : memref<1000x128xf32, #tpu.memory_space<hbm>> -> memref<1000x128xf32, #tpu.memory_space<hbm>>
    tpu.wait_indirect_dma semaphore(%arg7 : memref<!tpu.dma_semaphore, #tpu.memory_space<semaphore_mem>>) src(%dma_wait3A_564 : memref<1000x128xf32, #tpu.memory_space<hbm>>) dst(%dma_wait3A_558 : memref<20x128xf32, #tpu.memory_space<vmem>>)
    %dma_wait3A_565 = arith.constant 15 : i32
    %dma_wait3A_566 = arith.constant 15 : i32
    %dma_wait3A_567 = arith.constant 0 : i32
    %dma_wait3A_568 = arith.constant 0 : i32
    %dma_wait3A_569 = tpu.memref_slice %arg6[%dma_wait3A_566, %dma_wait3A_567, %dma_wait3A_568] : memref<32x20x128xf32, #tpu.memory_space<vmem>> -> memref<1x20x128xf32, #tpu.memory_space<vmem>>
    %dma_wait3A_570 = tpu.memref_squeeze %dma_wait3A_569 : memref<1x20x128xf32, #tpu.memory_space<vmem>> -> memref<20x128xf32, #tpu.memory_space<vmem>>
    %dma_wait3A_571 = arith.constant 0 : i32
    %dma_wait3A_572 = tpu.memref_slice %arg5[%dma_wait3A_565, %dma_wait3A_571] : memref<32x20xi32, #tpu.memory_space<vmem>> -> memref<1x20xi32, #tpu.memory_space<vmem>>
    %dma_wait3A_573 = tpu.memref_squeeze %dma_wait3A_572 : memref<1x20xi32, #tpu.memory_space<vmem>> -> memref<20xi32, #tpu.memory_space<vmem>>
    %dma_wait3A_574 = arith.constant 0 : i32
    %dma_wait3A_575 = arith.constant 0 : i32
    %dma_wait3A_576 = tpu.memref_slice %arg3[%dma_wait3A_574, %dma_wait3A_575] : memref<1000x128xf32, #tpu.memory_space<hbm>> -> memref<1000x128xf32, #tpu.memory_space<hbm>>
    tpu.wait_indirect_dma semaphore(%arg7 : memref<!tpu.dma_semaphore, #tpu.memory_space<semaphore_mem>>) src(%dma_wait3A_576 : memref<1000x128xf32, #tpu.memory_space<hbm>>) dst(%dma_wait3A_570 : memref<20x128xf32, #tpu.memory_space<vmem>>)
    %dma_wait3A_577 = arith.constant 16 : i32
    %dma_wait3A_578 = arith.constant 16 : i32
    %dma_wait3A_579 = arith.constant 0 : i32
    %dma_wait3A_580 = arith.constant 0 : i32
    %dma_wait3A_581 = tpu.memref_slice %arg6[%dma_wait3A_578, %dma_wait3A_579, %dma_wait3A_580] : memref<32x20x128xf32, #tpu.memory_space<vmem>> -> memref<1x20x128xf32, #tpu.memory_space<vmem>>
    %dma_wait3A_582 = tpu.memref_squeeze %dma_wait3A_581 : memref<1x20x128xf32, #tpu.memory_space<vmem>> -> memref<20x128xf32, #tpu.memory_space<vmem>>
    %dma_wait3A_583 = arith.constant 0 : i32
    %dma_wait3A_584 = tpu.memref_slice %arg5[%dma_wait3A_577, %dma_wait3A_583] : memref<32x20xi32, #tpu.memory_space<vmem>> -> memref<1x20xi32, #tpu.memory_space<vmem>>
    %dma_wait3A_585 = tpu.memref_squeeze %dma_wait3A_584 : memref<1x20xi32, #tpu.memory_space<vmem>> -> memref<20xi32, #tpu.memory_space<vmem>>
    %dma_wait3A_586 = arith.constant 0 : i32
    %dma_wait3A_587 = arith.constant 0 : i32
    %dma_wait3A_588 = tpu.memref_slice %arg3[%dma_wait3A_586, %dma_wait3A_587] : memref<1000x128xf32, #tpu.memory_space<hbm>> -> memref<1000x128xf32, #tpu.memory_space<hbm>>
    tpu.wait_indirect_dma semaphore(%arg7 : memref<!tpu.dma_semaphore, #tpu.memory_space<semaphore_mem>>) src(%dma_wait3A_588 : memref<1000x128xf32, #tpu.memory_space<hbm>>) dst(%dma_wait3A_582 : memref<20x128xf32, #tpu.memory_space<vmem>>)
    %dma_wait3A_589 = arith.constant 17 : i32
    %dma_wait3A_590 = arith.constant 17 : i32
    %dma_wait3A_591 = arith.constant 0 : i32
    %dma_wait3A_592 = arith.constant 0 : i32
    %dma_wait3A_593 = tpu.memref_slice %arg6[%dma_wait3A_590, %dma_wait3A_591, %dma_wait3A_592] : memref<32x20x128xf32, #tpu.memory_space<vmem>> -> memref<1x20x128xf32, #tpu.memory_space<vmem>>
    %dma_wait3A_594 = tpu.memref_squeeze %dma_wait3A_593 : memref<1x20x128xf32, #tpu.memory_space<vmem>> -> memref<20x128xf32, #tpu.memory_space<vmem>>
    %dma_wait3A_595 = arith.constant 0 : i32
    %dma_wait3A_596 = tpu.memref_slice %arg5[%dma_wait3A_589, %dma_wait3A_595] : memref<32x20xi32, #tpu.memory_space<vmem>> -> memref<1x20xi32, #tpu.memory_space<vmem>>
    %dma_wait3A_597 = tpu.memref_squeeze %dma_wait3A_596 : memref<1x20xi32, #tpu.memory_space<vmem>> -> memref<20xi32, #tpu.memory_space<vmem>>
    %dma_wait3A_598 = arith.constant 0 : i32
    %dma_wait3A_599 = arith.constant 0 : i32
    %dma_wait3A_600 = tpu.memref_slice %arg3[%dma_wait3A_598, %dma_wait3A_599] : memref<1000x128xf32, #tpu.memory_space<hbm>> -> memref<1000x128xf32, #tpu.memory_space<hbm>>
    tpu.wait_indirect_dma semaphore(%arg7 : memref<!tpu.dma_semaphore, #tpu.memory_space<semaphore_mem>>) src(%dma_wait3A_600 : memref<1000x128xf32, #tpu.memory_space<hbm>>) dst(%dma_wait3A_594 : memref<20x128xf32, #tpu.memory_space<vmem>>)
    %dma_wait3A_601 = arith.constant 18 : i32
    %dma_wait3A_602 = arith.constant 18 : i32
    %dma_wait3A_603 = arith.constant 0 : i32
    %dma_wait3A_604 = arith.constant 0 : i32
    %dma_wait3A_605 = tpu.memref_slice %arg6[%dma_wait3A_602, %dma_wait3A_603, %dma_wait3A_604] : memref<32x20x128xf32, #tpu.memory_space<vmem>> -> memref<1x20x128xf32, #tpu.memory_space<vmem>>
    %dma_wait3A_606 = tpu.memref_squeeze %dma_wait3A_605 : memref<1x20x128xf32, #tpu.memory_space<vmem>> -> memref<20x128xf32, #tpu.memory_space<vmem>>
    %dma_wait3A_607 = arith.constant 0 : i32
    %dma_wait3A_608 = tpu.memref_slice %arg5[%dma_wait3A_601, %dma_wait3A_607] : memref<32x20xi32, #tpu.memory_space<vmem>> -> memref<1x20xi32, #tpu.memory_space<vmem>>
    %dma_wait3A_609 = tpu.memref_squeeze %dma_wait3A_608 : memref<1x20xi32, #tpu.memory_space<vmem>> -> memref<20xi32, #tpu.memory_space<vmem>>
    %dma_wait3A_610 = arith.constant 0 : i32
    %dma_wait3A_611 = arith.constant 0 : i32
    %dma_wait3A_612 = tpu.memref_slice %arg3[%dma_wait3A_610, %dma_wait3A_611] : memref<1000x128xf32, #tpu.memory_space<hbm>> -> memref<1000x128xf32, #tpu.memory_space<hbm>>
    tpu.wait_indirect_dma semaphore(%arg7 : memref<!tpu.dma_semaphore, #tpu.memory_space<semaphore_mem>>) src(%dma_wait3A_612 : memref<1000x128xf32, #tpu.memory_space<hbm>>) dst(%dma_wait3A_606 : memref<20x128xf32, #tpu.memory_space<vmem>>)
    %dma_wait3A_613 = arith.constant 19 : i32
    %dma_wait3A_614 = arith.constant 19 : i32
    %dma_wait3A_615 = arith.constant 0 : i32
    %dma_wait3A_616 = arith.constant 0 : i32
    %dma_wait3A_617 = tpu.memref_slice %arg6[%dma_wait3A_614, %dma_wait3A_615, %dma_wait3A_616] : memref<32x20x128xf32, #tpu.memory_space<vmem>> -> memref<1x20x128xf32, #tpu.memory_space<vmem>>
    %dma_wait3A_618 = tpu.memref_squeeze %dma_wait3A_617 : memref<1x20x128xf32, #tpu.memory_space<vmem>> -> memref<20x128xf32, #tpu.memory_space<vmem>>
    %dma_wait3A_619 = arith.constant 0 : i32
    %dma_wait3A_620 = tpu.memref_slice %arg5[%dma_wait3A_613, %dma_wait3A_619] : memref<32x20xi32, #tpu.memory_space<vmem>> -> memref<1x20xi32, #tpu.memory_space<vmem>>
    %dma_wait3A_621 = tpu.memref_squeeze %dma_wait3A_620 : memref<1x20xi32, #tpu.memory_space<vmem>> -> memref<20xi32, #tpu.memory_space<vmem>>
    %dma_wait3A_622 = arith.constant 0 : i32
    %dma_wait3A_623 = arith.constant 0 : i32
    %dma_wait3A_624 = tpu.memref_slice %arg3[%dma_wait3A_622, %dma_wait3A_623] : memref<1000x128xf32, #tpu.memory_space<hbm>> -> memref<1000x128xf32, #tpu.memory_space<hbm>>
    tpu.wait_indirect_dma semaphore(%arg7 : memref<!tpu.dma_semaphore, #tpu.memory_space<semaphore_mem>>) src(%dma_wait3A_624 : memref<1000x128xf32, #tpu.memory_space<hbm>>) dst(%dma_wait3A_618 : memref<20x128xf32, #tpu.memory_space<vmem>>)
    %dma_wait3A_625 = arith.constant 20 : i32
    %dma_wait3A_626 = arith.constant 20 : i32
    %dma_wait3A_627 = arith.constant 0 : i32
    %dma_wait3A_628 = arith.constant 0 : i32
    %dma_wait3A_629 = tpu.memref_slice %arg6[%dma_wait3A_626, %dma_wait3A_627, %dma_wait3A_628] : memref<32x20x128xf32, #tpu.memory_space<vmem>> -> memref<1x20x128xf32, #tpu.memory_space<vmem>>
    %dma_wait3A_630 = tpu.memref_squeeze %dma_wait3A_629 : memref<1x20x128xf32, #tpu.memory_space<vmem>> -> memref<20x128xf32, #tpu.memory_space<vmem>>
    %dma_wait3A_631 = arith.constant 0 : i32
    %dma_wait3A_632 = tpu.memref_slice %arg5[%dma_wait3A_625, %dma_wait3A_631] : memref<32x20xi32, #tpu.memory_space<vmem>> -> memref<1x20xi32, #tpu.memory_space<vmem>>
    %dma_wait3A_633 = tpu.memref_squeeze %dma_wait3A_632 : memref<1x20xi32, #tpu.memory_space<vmem>> -> memref<20xi32, #tpu.memory_space<vmem>>
    %dma_wait3A_634 = arith.constant 0 : i32
    %dma_wait3A_635 = arith.constant 0 : i32
    %dma_wait3A_636 = tpu.memref_slice %arg3[%dma_wait3A_634, %dma_wait3A_635] : memref<1000x128xf32, #tpu.memory_space<hbm>> -> memref<1000x128xf32, #tpu.memory_space<hbm>>
    tpu.wait_indirect_dma semaphore(%arg7 : memref<!tpu.dma_semaphore, #tpu.memory_space<semaphore_mem>>) src(%dma_wait3A_636 : memref<1000x128xf32, #tpu.memory_space<hbm>>) dst(%dma_wait3A_630 : memref<20x128xf32, #tpu.memory_space<vmem>>)
    %dma_wait3A_637 = arith.constant 21 : i32
    %dma_wait3A_638 = arith.constant 21 : i32
    %dma_wait3A_639 = arith.constant 0 : i32
    %dma_wait3A_640 = arith.constant 0 : i32
    %dma_wait3A_641 = tpu.memref_slice %arg6[%dma_wait3A_638, %dma_wait3A_639, %dma_wait3A_640] : memref<32x20x128xf32, #tpu.memory_space<vmem>> -> memref<1x20x128xf32, #tpu.memory_space<vmem>>
    %dma_wait3A_642 = tpu.memref_squeeze %dma_wait3A_641 : memref<1x20x128xf32, #tpu.memory_space<vmem>> -> memref<20x128xf32, #tpu.memory_space<vmem>>
    %dma_wait3A_643 = arith.constant 0 : i32
    %dma_wait3A_644 = tpu.memref_slice %arg5[%dma_wait3A_637, %dma_wait3A_643] : memref<32x20xi32, #tpu.memory_space<vmem>> -> memref<1x20xi32, #tpu.memory_space<vmem>>
    %dma_wait3A_645 = tpu.memref_squeeze %dma_wait3A_644 : memref<1x20xi32, #tpu.memory_space<vmem>> -> memref<20xi32, #tpu.memory_space<vmem>>
    %dma_wait3A_646 = arith.constant 0 : i32
    %dma_wait3A_647 = arith.constant 0 : i32
    %dma_wait3A_648 = tpu.memref_slice %arg3[%dma_wait3A_646, %dma_wait3A_647] : memref<1000x128xf32, #tpu.memory_space<hbm>> -> memref<1000x128xf32, #tpu.memory_space<hbm>>
    tpu.wait_indirect_dma semaphore(%arg7 : memref<!tpu.dma_semaphore, #tpu.memory_space<semaphore_mem>>) src(%dma_wait3A_648 : memref<1000x128xf32, #tpu.memory_space<hbm>>) dst(%dma_wait3A_642 : memref<20x128xf32, #tpu.memory_space<vmem>>)
    %dma_wait3A_649 = arith.constant 22 : i32
    %dma_wait3A_650 = arith.constant 22 : i32
    %dma_wait3A_651 = arith.constant 0 : i32
    %dma_wait3A_652 = arith.constant 0 : i32
    %dma_wait3A_653 = tpu.memref_slice %arg6[%dma_wait3A_650, %dma_wait3A_651, %dma_wait3A_652] : memref<32x20x128xf32, #tpu.memory_space<vmem>> -> memref<1x20x128xf32, #tpu.memory_space<vmem>>
    %dma_wait3A_654 = tpu.memref_squeeze %dma_wait3A_653 : memref<1x20x128xf32, #tpu.memory_space<vmem>> -> memref<20x128xf32, #tpu.memory_space<vmem>>
    %dma_wait3A_655 = arith.constant 0 : i32
    %dma_wait3A_656 = tpu.memref_slice %arg5[%dma_wait3A_649, %dma_wait3A_655] : memref<32x20xi32, #tpu.memory_space<vmem>> -> memref<1x20xi32, #tpu.memory_space<vmem>>
    %dma_wait3A_657 = tpu.memref_squeeze %dma_wait3A_656 : memref<1x20xi32, #tpu.memory_space<vmem>> -> memref<20xi32, #tpu.memory_space<vmem>>
    %dma_wait3A_658 = arith.constant 0 : i32
    %dma_wait3A_659 = arith.constant 0 : i32
    %dma_wait3A_660 = tpu.memref_slice %arg3[%dma_wait3A_658, %dma_wait3A_659] : memref<1000x128xf32, #tpu.memory_space<hbm>> -> memref<1000x128xf32, #tpu.memory_space<hbm>>
    tpu.wait_indirect_dma semaphore(%arg7 : memref<!tpu.dma_semaphore, #tpu.memory_space<semaphore_mem>>) src(%dma_wait3A_660 : memref<1000x128xf32, #tpu.memory_space<hbm>>) dst(%dma_wait3A_654 : memref<20x128xf32, #tpu.memory_space<vmem>>)
    %dma_wait3A_661 = arith.constant 23 : i32
    %dma_wait3A_662 = arith.constant 23 : i32
    %dma_wait3A_663 = arith.constant 0 : i32
    %dma_wait3A_664 = arith.constant 0 : i32
    %dma_wait3A_665 = tpu.memref_slice %arg6[%dma_wait3A_662, %dma_wait3A_663, %dma_wait3A_664] : memref<32x20x128xf32, #tpu.memory_space<vmem>> -> memref<1x20x128xf32, #tpu.memory_space<vmem>>
    %dma_wait3A_666 = tpu.memref_squeeze %dma_wait3A_665 : memref<1x20x128xf32, #tpu.memory_space<vmem>> -> memref<20x128xf32, #tpu.memory_space<vmem>>
    %dma_wait3A_667 = arith.constant 0 : i32
    %dma_wait3A_668 = tpu.memref_slice %arg5[%dma_wait3A_661, %dma_wait3A_667] : memref<32x20xi32, #tpu.memory_space<vmem>> -> memref<1x20xi32, #tpu.memory_space<vmem>>
    %dma_wait3A_669 = tpu.memref_squeeze %dma_wait3A_668 : memref<1x20xi32, #tpu.memory_space<vmem>> -> memref<20xi32, #tpu.memory_space<vmem>>
    %dma_wait3A_670 = arith.constant 0 : i32
    %dma_wait3A_671 = arith.constant 0 : i32
    %dma_wait3A_672 = tpu.memref_slice %arg3[%dma_wait3A_670, %dma_wait3A_671] : memref<1000x128xf32, #tpu.memory_space<hbm>> -> memref<1000x128xf32, #tpu.memory_space<hbm>>
    tpu.wait_indirect_dma semaphore(%arg7 : memref<!tpu.dma_semaphore, #tpu.memory_space<semaphore_mem>>) src(%dma_wait3A_672 : memref<1000x128xf32, #tpu.memory_space<hbm>>) dst(%dma_wait3A_666 : memref<20x128xf32, #tpu.memory_space<vmem>>)
    %dma_wait3A_673 = arith.constant 24 : i32
    %dma_wait3A_674 = arith.constant 24 : i32
    %dma_wait3A_675 = arith.constant 0 : i32
    %dma_wait3A_676 = arith.constant 0 : i32
    %dma_wait3A_677 = tpu.memref_slice %arg6[%dma_wait3A_674, %dma_wait3A_675, %dma_wait3A_676] : memref<32x20x128xf32, #tpu.memory_space<vmem>> -> memref<1x20x128xf32, #tpu.memory_space<vmem>>
    %dma_wait3A_678 = tpu.memref_squeeze %dma_wait3A_677 : memref<1x20x128xf32, #tpu.memory_space<vmem>> -> memref<20x128xf32, #tpu.memory_space<vmem>>
    %dma_wait3A_679 = arith.constant 0 : i32
    %dma_wait3A_680 = tpu.memref_slice %arg5[%dma_wait3A_673, %dma_wait3A_679] : memref<32x20xi32, #tpu.memory_space<vmem>> -> memref<1x20xi32, #tpu.memory_space<vmem>>
    %dma_wait3A_681 = tpu.memref_squeeze %dma_wait3A_680 : memref<1x20xi32, #tpu.memory_space<vmem>> -> memref<20xi32, #tpu.memory_space<vmem>>
    %dma_wait3A_682 = arith.constant 0 : i32
    %dma_wait3A_683 = arith.constant 0 : i32
    %dma_wait3A_684 = tpu.memref_slice %arg3[%dma_wait3A_682, %dma_wait3A_683] : memref<1000x128xf32, #tpu.memory_space<hbm>> -> memref<1000x128xf32, #tpu.memory_space<hbm>>
    tpu.wait_indirect_dma semaphore(%arg7 : memref<!tpu.dma_semaphore, #tpu.memory_space<semaphore_mem>>) src(%dma_wait3A_684 : memref<1000x128xf32, #tpu.memory_space<hbm>>) dst(%dma_wait3A_678 : memref<20x128xf32, #tpu.memory_space<vmem>>)
    %dma_wait3A_685 = arith.constant 25 : i32
    %dma_wait3A_686 = arith.constant 25 : i32
    %dma_wait3A_687 = arith.constant 0 : i32
    %dma_wait3A_688 = arith.constant 0 : i32
    %dma_wait3A_689 = tpu.memref_slice %arg6[%dma_wait3A_686, %dma_wait3A_687, %dma_wait3A_688] : memref<32x20x128xf32, #tpu.memory_space<vmem>> -> memref<1x20x128xf32, #tpu.memory_space<vmem>>
    %dma_wait3A_690 = tpu.memref_squeeze %dma_wait3A_689 : memref<1x20x128xf32, #tpu.memory_space<vmem>> -> memref<20x128xf32, #tpu.memory_space<vmem>>
    %dma_wait3A_691 = arith.constant 0 : i32
    %dma_wait3A_692 = tpu.memref_slice %arg5[%dma_wait3A_685, %dma_wait3A_691] : memref<32x20xi32, #tpu.memory_space<vmem>> -> memref<1x20xi32, #tpu.memory_space<vmem>>
    %dma_wait3A_693 = tpu.memref_squeeze %dma_wait3A_692 : memref<1x20xi32, #tpu.memory_space<vmem>> -> memref<20xi32, #tpu.memory_space<vmem>>
    %dma_wait3A_694 = arith.constant 0 : i32
    %dma_wait3A_695 = arith.constant 0 : i32
    %dma_wait3A_696 = tpu.memref_slice %arg3[%dma_wait3A_694, %dma_wait3A_695] : memref<1000x128xf32, #tpu.memory_space<hbm>> -> memref<1000x128xf32, #tpu.memory_space<hbm>>
    tpu.wait_indirect_dma semaphore(%arg7 : memref<!tpu.dma_semaphore, #tpu.memory_space<semaphore_mem>>) src(%dma_wait3A_696 : memref<1000x128xf32, #tpu.memory_space<hbm>>) dst(%dma_wait3A_690 : memref<20x128xf32, #tpu.memory_space<vmem>>)
    %dma_wait3A_697 = arith.constant 26 : i32
    %dma_wait3A_698 = arith.constant 26 : i32
    %dma_wait3A_699 = arith.constant 0 : i32
    %dma_wait3A_700 = arith.constant 0 : i32
    %dma_wait3A_701 = tpu.memref_slice %arg6[%dma_wait3A_698, %dma_wait3A_699, %dma_wait3A_700] : memref<32x20x128xf32, #tpu.memory_space<vmem>> -> memref<1x20x128xf32, #tpu.memory_space<vmem>>
    %dma_wait3A_702 = tpu.memref_squeeze %dma_wait3A_701 : memref<1x20x128xf32, #tpu.memory_space<vmem>> -> memref<20x128xf32, #tpu.memory_space<vmem>>
    %dma_wait3A_703 = arith.constant 0 : i32
    %dma_wait3A_704 = tpu.memref_slice %arg5[%dma_wait3A_697, %dma_wait3A_703] : memref<32x20xi32, #tpu.memory_space<vmem>> -> memref<1x20xi32, #tpu.memory_space<vmem>>
    %dma_wait3A_705 = tpu.memref_squeeze %dma_wait3A_704 : memref<1x20xi32, #tpu.memory_space<vmem>> -> memref<20xi32, #tpu.memory_space<vmem>>
    %dma_wait3A_706 = arith.constant 0 : i32
    %dma_wait3A_707 = arith.constant 0 : i32
    %dma_wait3A_708 = tpu.memref_slice %arg3[%dma_wait3A_706, %dma_wait3A_707] : memref<1000x128xf32, #tpu.memory_space<hbm>> -> memref<1000x128xf32, #tpu.memory_space<hbm>>
    tpu.wait_indirect_dma semaphore(%arg7 : memref<!tpu.dma_semaphore, #tpu.memory_space<semaphore_mem>>) src(%dma_wait3A_708 : memref<1000x128xf32, #tpu.memory_space<hbm>>) dst(%dma_wait3A_702 : memref<20x128xf32, #tpu.memory_space<vmem>>)
    %dma_wait3A_709 = arith.constant 27 : i32
    %dma_wait3A_710 = arith.constant 27 : i32
    %dma_wait3A_711 = arith.constant 0 : i32
    %dma_wait3A_712 = arith.constant 0 : i32
    %dma_wait3A_713 = tpu.memref_slice %arg6[%dma_wait3A_710, %dma_wait3A_711, %dma_wait3A_712] : memref<32x20x128xf32, #tpu.memory_space<vmem>> -> memref<1x20x128xf32, #tpu.memory_space<vmem>>
    %dma_wait3A_714 = tpu.memref_squeeze %dma_wait3A_713 : memref<1x20x128xf32, #tpu.memory_space<vmem>> -> memref<20x128xf32, #tpu.memory_space<vmem>>
    %dma_wait3A_715 = arith.constant 0 : i32
    %dma_wait3A_716 = tpu.memref_slice %arg5[%dma_wait3A_709, %dma_wait3A_715] : memref<32x20xi32, #tpu.memory_space<vmem>> -> memref<1x20xi32, #tpu.memory_space<vmem>>
    %dma_wait3A_717 = tpu.memref_squeeze %dma_wait3A_716 : memref<1x20xi32, #tpu.memory_space<vmem>> -> memref<20xi32, #tpu.memory_space<vmem>>
    %dma_wait3A_718 = arith.constant 0 : i32
    %dma_wait3A_719 = arith.constant 0 : i32
    %dma_wait3A_720 = tpu.memref_slice %arg3[%dma_wait3A_718, %dma_wait3A_719] : memref<1000x128xf32, #tpu.memory_space<hbm>> -> memref<1000x128xf32, #tpu.memory_space<hbm>>
    tpu.wait_indirect_dma semaphore(%arg7 : memref<!tpu.dma_semaphore, #tpu.memory_space<semaphore_mem>>) src(%dma_wait3A_720 : memref<1000x128xf32, #tpu.memory_space<hbm>>) dst(%dma_wait3A_714 : memref<20x128xf32, #tpu.memory_space<vmem>>)
    %dma_wait3A_721 = arith.constant 28 : i32
    %dma_wait3A_722 = arith.constant 28 : i32
    %dma_wait3A_723 = arith.constant 0 : i32
    %dma_wait3A_724 = arith.constant 0 : i32
    %dma_wait3A_725 = tpu.memref_slice %arg6[%dma_wait3A_722, %dma_wait3A_723, %dma_wait3A_724] : memref<32x20x128xf32, #tpu.memory_space<vmem>> -> memref<1x20x128xf32, #tpu.memory_space<vmem>>
    %dma_wait3A_726 = tpu.memref_squeeze %dma_wait3A_725 : memref<1x20x128xf32, #tpu.memory_space<vmem>> -> memref<20x128xf32, #tpu.memory_space<vmem>>
    %dma_wait3A_727 = arith.constant 0 : i32
    %dma_wait3A_728 = tpu.memref_slice %arg5[%dma_wait3A_721, %dma_wait3A_727] : memref<32x20xi32, #tpu.memory_space<vmem>> -> memref<1x20xi32, #tpu.memory_space<vmem>>
    %dma_wait3A_729 = tpu.memref_squeeze %dma_wait3A_728 : memref<1x20xi32, #tpu.memory_space<vmem>> -> memref<20xi32, #tpu.memory_space<vmem>>
    %dma_wait3A_730 = arith.constant 0 : i32
    %dma_wait3A_731 = arith.constant 0 : i32
    %dma_wait3A_732 = tpu.memref_slice %arg3[%dma_wait3A_730, %dma_wait3A_731] : memref<1000x128xf32, #tpu.memory_space<hbm>> -> memref<1000x128xf32, #tpu.memory_space<hbm>>
    tpu.wait_indirect_dma semaphore(%arg7 : memref<!tpu.dma_semaphore, #tpu.memory_space<semaphore_mem>>) src(%dma_wait3A_732 : memref<1000x128xf32, #tpu.memory_space<hbm>>) dst(%dma_wait3A_726 : memref<20x128xf32, #tpu.memory_space<vmem>>)
    %dma_wait3A_733 = arith.constant 29 : i32
    %dma_wait3A_734 = arith.constant 29 : i32
    %dma_wait3A_735 = arith.constant 0 : i32
    %dma_wait3A_736 = arith.constant 0 : i32
    %dma_wait3A_737 = tpu.memref_slice %arg6[%dma_wait3A_734, %dma_wait3A_735, %dma_wait3A_736] : memref<32x20x128xf32, #tpu.memory_space<vmem>> -> memref<1x20x128xf32, #tpu.memory_space<vmem>>
    %dma_wait3A_738 = tpu.memref_squeeze %dma_wait3A_737 : memref<1x20x128xf32, #tpu.memory_space<vmem>> -> memref<20x128xf32, #tpu.memory_space<vmem>>
    %dma_wait3A_739 = arith.constant 0 : i32
    %dma_wait3A_740 = tpu.memref_slice %arg5[%dma_wait3A_733, %dma_wait3A_739] : memref<32x20xi32, #tpu.memory_space<vmem>> -> memref<1x20xi32, #tpu.memory_space<vmem>>
    %dma_wait3A_741 = tpu.memref_squeeze %dma_wait3A_740 : memref<1x20xi32, #tpu.memory_space<vmem>> -> memref<20xi32, #tpu.memory_space<vmem>>
    %dma_wait3A_742 = arith.constant 0 : i32
    %dma_wait3A_743 = arith.constant 0 : i32
    %dma_wait3A_744 = tpu.memref_slice %arg3[%dma_wait3A_742, %dma_wait3A_743] : memref<1000x128xf32, #tpu.memory_space<hbm>> -> memref<1000x128xf32, #tpu.memory_space<hbm>>
    tpu.wait_indirect_dma semaphore(%arg7 : memref<!tpu.dma_semaphore, #tpu.memory_space<semaphore_mem>>) src(%dma_wait3A_744 : memref<1000x128xf32, #tpu.memory_space<hbm>>) dst(%dma_wait3A_738 : memref<20x128xf32, #tpu.memory_space<vmem>>)
    %dma_wait3A_745 = arith.constant 30 : i32
    %dma_wait3A_746 = arith.constant 30 : i32
    %dma_wait3A_747 = arith.constant 0 : i32
    %dma_wait3A_748 = arith.constant 0 : i32
    %dma_wait3A_749 = tpu.memref_slice %arg6[%dma_wait3A_746, %dma_wait3A_747, %dma_wait3A_748] : memref<32x20x128xf32, #tpu.memory_space<vmem>> -> memref<1x20x128xf32, #tpu.memory_space<vmem>>
    %dma_wait3A_750 = tpu.memref_squeeze %dma_wait3A_749 : memref<1x20x128xf32, #tpu.memory_space<vmem>> -> memref<20x128xf32, #tpu.memory_space<vmem>>
    %dma_wait3A_751 = arith.constant 0 : i32
    %dma_wait3A_752 = tpu.memref_slice %arg5[%dma_wait3A_745, %dma_wait3A_751] : memref<32x20xi32, #tpu.memory_space<vmem>> -> memref<1x20xi32, #tpu.memory_space<vmem>>
    %dma_wait3A_753 = tpu.memref_squeeze %dma_wait3A_752 : memref<1x20xi32, #tpu.memory_space<vmem>> -> memref<20xi32, #tpu.memory_space<vmem>>
    %dma_wait3A_754 = arith.constant 0 : i32
    %dma_wait3A_755 = arith.constant 0 : i32
    %dma_wait3A_756 = tpu.memref_slice %arg3[%dma_wait3A_754, %dma_wait3A_755] : memref<1000x128xf32, #tpu.memory_space<hbm>> -> memref<1000x128xf32, #tpu.memory_space<hbm>>
    tpu.wait_indirect_dma semaphore(%arg7 : memref<!tpu.dma_semaphore, #tpu.memory_space<semaphore_mem>>) src(%dma_wait3A_756 : memref<1000x128xf32, #tpu.memory_space<hbm>>) dst(%dma_wait3A_750 : memref<20x128xf32, #tpu.memory_space<vmem>>)
    %dma_wait3A_757 = arith.constant 31 : i32
    %dma_wait3A_758 = arith.constant 31 : i32
    %dma_wait3A_759 = arith.constant 0 : i32
    %dma_wait3A_760 = arith.constant 0 : i32
    %dma_wait3A_761 = tpu.memref_slice %arg6[%dma_wait3A_758, %dma_wait3A_759, %dma_wait3A_760] : memref<32x20x128xf32, #tpu.memory_space<vmem>> -> memref<1x20x128xf32, #tpu.memory_space<vmem>>
    %dma_wait3A_762 = tpu.memref_squeeze %dma_wait3A_761 : memref<1x20x128xf32, #tpu.memory_space<vmem>> -> memref<20x128xf32, #tpu.memory_space<vmem>>
    %dma_wait3A_763 = arith.constant 0 : i32
    %dma_wait3A_764 = tpu.memref_slice %arg5[%dma_wait3A_757, %dma_wait3A_763] : memref<32x20xi32, #tpu.memory_space<vmem>> -> memref<1x20xi32, #tpu.memory_space<vmem>>
    %dma_wait3A_765 = tpu.memref_squeeze %dma_wait3A_764 : memref<1x20xi32, #tpu.memory_space<vmem>> -> memref<20xi32, #tpu.memory_space<vmem>>
    %dma_wait3A_766 = arith.constant 0 : i32
    %dma_wait3A_767 = arith.constant 0 : i32
    %dma_wait3A_768 = tpu.memref_slice %arg3[%dma_wait3A_766, %dma_wait3A_767] : memref<1000x128xf32, #tpu.memory_space<hbm>> -> memref<1000x128xf32, #tpu.memory_space<hbm>>
    tpu.wait_indirect_dma semaphore(%arg7 : memref<!tpu.dma_semaphore, #tpu.memory_space<semaphore_mem>>) src(%dma_wait3A_768 : memref<1000x128xf32, #tpu.memory_space<hbm>>) dst(%dma_wait3A_762 : memref<20x128xf32, #tpu.memory_space<vmem>>)
    "tpu.region"() ({
      %run_scoped3A = tpu.sem_alloc : memref<!tpu.dma_semaphore, #tpu.memory_space<semaphore_mem>>
      %dma_start3A_769 = arith.constant 0 : i32
      %dma_start3A_770 = arith.constant 0 : i32
      %dma_start3A_771 = tpu.memref_slice %arg4[%mul3A_2, %dma_start3A_769, %dma_start3A_770] : memref<1024x20x128xf32, #tpu.memory_space<hbm>> -> memref<32x20x128xf32, #tpu.memory_space<hbm>>
      %dma_start3A_772 = arith.constant 0 : i32
      %dma_start3A_773 = arith.constant 0 : i32
      %dma_start3A_774 = tpu.memref_slice %arg4[%mul3A_2, %dma_start3A_772, %dma_start3A_773] : memref<1024x20x128xf32, #tpu.memory_space<hbm>> -> memref<32x20x128xf32, #tpu.memory_space<hbm>>
      tpu.enqueue_dma source(%arg6 : memref<32x20x128xf32, #tpu.memory_space<vmem>>) target(%dma_start3A_774 : memref<32x20x128xf32, #tpu.memory_space<hbm>>) target_semaphore(%run_scoped3A : memref<!tpu.dma_semaphore, #tpu.memory_space<semaphore_mem>>)
      %dma_wait3A_775 = arith.constant 0 : i32
      %dma_wait3A_776 = arith.constant 0 : i32
      %dma_wait3A_777 = tpu.memref_slice %arg4[%mul3A_2, %dma_wait3A_775, %dma_wait3A_776] : memref<1024x20x128xf32, #tpu.memory_space<hbm>> -> memref<32x20x128xf32, #tpu.memory_space<hbm>>
      %dma_wait3A_778 = arith.constant 0 : i32
      %dma_wait3A_779 = arith.constant 0 : i32
      %dma_wait3A_780 = tpu.memref_slice %arg4[%mul3A_2, %dma_wait3A_778, %dma_wait3A_779] : memref<1024x20x128xf32, #tpu.memory_space<hbm>> -> memref<32x20x128xf32, #tpu.memory_space<hbm>>
      tpu.wait_dma2 semaphore(%run_scoped3A : memref<!tpu.dma_semaphore, #tpu.memory_space<semaphore_mem>>) src(%arg6 : memref<32x20x128xf32, #tpu.memory_space<vmem>>) dst(%dma_wait3A_780 : memref<32x20x128xf32, #tpu.memory_space<hbm>>)
      tpu.yield
    }) : () -> ()
    return
  }
}

module attributes {stable_mosaic.version = 14 : i64} {
  func.func @body(%arg0: i32, %arg1: memref<64x20x128xf32, #tpu.memory_space<vmem>>, %arg2: memref<8x128xf32, #tpu.memory_space<vmem>>, %arg3: memref<16x1000xf32, #tpu.memory_space<vmem>>, %arg4: memref<1x1000xf32, #tpu.memory_space<vmem>>, %arg5: memref<64x20x1000xf32, #tpu.memory_space<vmem>>) attributes {dimension_semantics = [#tpu.dimension_semantics<arbitrary>], iteration_bounds = array<i64: 16>, scalar_prefetch = 0 : i64, scratch_operands = 0 : i64, tpu.core_type = #tpu.core_type<tc>, window_params = [{transform_indices = @transform_0, window_bounds = array<i64: 64, 20, 128>}, {transform_indices = @transform_1, window_bounds = array<i64: 8, 128>}, {pipeline_mode = #tpu.pipeline_mode<synchronous>, transform_indices = @transform_2, window_bounds = array<i64: 16, 1000>}, {pipeline_mode = #tpu.pipeline_mode<synchronous>, transform_indices = @transform_3, window_bounds = array<i64: 1, 1000>}, {transform_indices = @transform_4, window_bounds = array<i64: 64, 20, 1000>}]} {
    %get3A = arith.constant 0 : index
    %get3A_0 = arith.constant 0 : index
    %get3A_1 = vector.load %arg3[%get3A, %get3A_0] : memref<16x1000xf32, #tpu.memory_space<vmem>>, vector<16x1000xf32>
    %get3A_2 = arith.constant 0 : index
    %get3A_3 = arith.constant 0 : index
    %get3A_4 = vector.load %arg4[%get3A_2, %get3A_3] : memref<1x1000xf32, #tpu.memory_space<vmem>>, vector<1x1000xf32>
    %get3A_5 = arith.constant 0 : index
    %get3A_6 = arith.constant 0 : index
    %get3A_7 = vector.load %arg2[%get3A_5, %get3A_6] : memref<8x128xf32, #tpu.memory_space<vmem>>, vector<1x16xf32>
    %broadcast_in_dim3A = vector.shape_cast %get3A_7 : vector<1x16xf32> to vector<1x16xf32>
    %broadcast_in_dim3A_8 = vector.broadcast %broadcast_in_dim3A : vector<1x16xf32> to vector<64x16xf32>
    %get3A_9 = arith.constant 0 : index
    %get3A_10 = arith.constant 0 : index
    %get3A_11 = arith.constant 0 : index
    %get3A_12 = vector.load %arg1[%get3A_9, %get3A_10, %get3A_11] : memref<64x20x128xf32, #tpu.memory_space<vmem>>, vector<64x20x16xf32>
    %slice3A = vector.extract_strided_slice %get3A_12 {offsets = [0, 0, 0], sizes = [64, 1, 16], strides = [1, 1, 1]} : vector<64x20x16xf32> to vector<64x1x16xf32>
    %squeeze3A = vector.shape_cast %slice3A : vector<64x1x16xf32> to vector<64x16xf32>
    %add3A = arith.addf %squeeze3A, %broadcast_in_dim3A_8 : vector<64x16xf32>
    %add3A_13 = arith.addf %add3A, %broadcast_in_dim3A_8 : vector<64x16xf32>
    %mul3A = arith.constant 0.333333343 : f32
    %mul3A_14 = vector.broadcast %mul3A : f32 to vector<64x16xf32>
    %mul3A_15 = arith.mulf %add3A_13, %mul3A_14 : vector<64x16xf32>
    %dot_general3A = arith.constant dense<0.000000e+00> : vector<64x1000xf32>
    %dot_general3A_16 = tpu.matmul %mul3A_15, %get3A_1, %dot_general3A {dimension_numbers = #tpu.dot_dimension_numbers<[1], [0], [0], [1], [0, 0, 1, 1], [], []>, transpose_lhs_hint = false} : vector<64x16xf32>, vector<16x1000xf32>, vector<64x1000xf32> -> vector<64x1000xf32>
    %add3A_17 = vector.broadcast %get3A_4 : vector<1x1000xf32> to vector<64x1000xf32>
    %add3A_18 = arith.addf %dot_general3A_16, %add3A_17 : vector<64x1000xf32>
    %swap3A = arith.constant 0 : index
    %swap3A_19 = arith.constant 0 : index
    %swap3A_20 = arith.constant 0 : index
    %swap3A_21 = vector.load %arg5[%swap3A, %swap3A_19, %swap3A_20] : memref<64x20x1000xf32, #tpu.memory_space<vmem>>, vector<64x1x1000xf32>
    %swap3A_22 = vector.shape_cast %swap3A_21 : vector<64x1x1000xf32> to vector<64x1000xf32>
    %swap3A_23 = vector.shape_cast %add3A_18 : vector<64x1000xf32> to vector<64x1x1000xf32>
    tpu.vector_store %arg5[%swap3A, %swap3A_19, %swap3A_20], %swap3A_23 {strides = array<i32>} : memref<64x20x1000xf32, #tpu.memory_space<vmem>>, vector<64x1x1000xf32>,
    %slice3A_24 = vector.extract_strided_slice %get3A_12 {offsets = [0, 1, 0], sizes = [64, 1, 16], strides = [1, 1, 1]} : vector<64x20x16xf32> to vector<64x1x16xf32>
    %squeeze3A_25 = vector.shape_cast %slice3A_24 : vector<64x1x16xf32> to vector<64x16xf32>
    %slice3A_26 = vector.extract_strided_slice %get3A_12 {offsets = [0, 0, 0], sizes = [64, 1, 16], strides = [1, 1, 1]} : vector<64x20x16xf32> to vector<64x1x16xf32>
    %squeeze3A_27 = vector.shape_cast %slice3A_26 : vector<64x1x16xf32> to vector<64x16xf32>
    %add3A_28 = arith.addf %squeeze3A_25, %squeeze3A_27 : vector<64x16xf32>
    %add3A_29 = arith.addf %add3A_28, %broadcast_in_dim3A_8 : vector<64x16xf32>
    %mul3A_30 = arith.constant 0.333333343 : f32
    %mul3A_31 = vector.broadcast %mul3A_30 : f32 to vector<64x16xf32>
    %mul3A_32 = arith.mulf %add3A_29, %mul3A_31 : vector<64x16xf32>
    %dot_general3A_33 = arith.constant dense<0.000000e+00> : vector<64x1000xf32>
    %dot_general3A_34 = tpu.matmul %mul3A_32, %get3A_1, %dot_general3A_33 {dimension_numbers = #tpu.dot_dimension_numbers<[1], [0], [0], [1], [0, 0, 1, 1], [], []>, transpose_lhs_hint = false} : vector<64x16xf32>, vector<16x1000xf32>, vector<64x1000xf32> -> vector<64x1000xf32>
    %add3A_35 = vector.broadcast %get3A_4 : vector<1x1000xf32> to vector<64x1000xf32>
    %add3A_36 = arith.addf %dot_general3A_34, %add3A_35 : vector<64x1000xf32>
    %swap3A_37 = arith.constant 0 : index
    %swap3A_38 = arith.constant 1 : index
    %swap3A_39 = arith.constant 0 : index
    %swap3A_40 = vector.load %arg5[%swap3A_37, %swap3A_38, %swap3A_39] : memref<64x20x1000xf32, #tpu.memory_space<vmem>>, vector<64x1x1000xf32>
    %swap3A_41 = vector.shape_cast %swap3A_40 : vector<64x1x1000xf32> to vector<64x1000xf32>
    %swap3A_42 = vector.shape_cast %add3A_36 : vector<64x1000xf32> to vector<64x1x1000xf32>
    tpu.vector_store %arg5[%swap3A_37, %swap3A_38, %swap3A_39], %swap3A_42 {strides = array<i32>} : memref<64x20x1000xf32, #tpu.memory_space<vmem>>, vector<64x1x1000xf32>,
    %slice3A_43 = vector.extract_strided_slice %get3A_12 {offsets = [0, 2, 0], sizes = [64, 1, 16], strides = [1, 1, 1]} : vector<64x20x16xf32> to vector<64x1x16xf32>
    %squeeze3A_44 = vector.shape_cast %slice3A_43 : vector<64x1x16xf32> to vector<64x16xf32>
    %slice3A_45 = vector.extract_strided_slice %get3A_12 {offsets = [0, 1, 0], sizes = [64, 1, 16], strides = [1, 1, 1]} : vector<64x20x16xf32> to vector<64x1x16xf32>
    %squeeze3A_46 = vector.shape_cast %slice3A_45 : vector<64x1x16xf32> to vector<64x16xf32>
    %slice3A_47 = vector.extract_strided_slice %get3A_12 {offsets = [0, 0, 0], sizes = [64, 1, 16], strides = [1, 1, 1]} : vector<64x20x16xf32> to vector<64x1x16xf32>
    %squeeze3A_48 = vector.shape_cast %slice3A_47 : vector<64x1x16xf32> to vector<64x16xf32>
    %add3A_49 = arith.addf %squeeze3A_44, %squeeze3A_46 : vector<64x16xf32>
    %add3A_50 = arith.addf %add3A_49, %squeeze3A_48 : vector<64x16xf32>
    %mul3A_51 = arith.constant 0.333333343 : f32
    %mul3A_52 = vector.broadcast %mul3A_51 : f32 to vector<64x16xf32>
    %mul3A_53 = arith.mulf %add3A_50, %mul3A_52 : vector<64x16xf32>
    %dot_general3A_54 = arith.constant dense<0.000000e+00> : vector<64x1000xf32>
    %dot_general3A_55 = tpu.matmul %mul3A_53, %get3A_1, %dot_general3A_54 {dimension_numbers = #tpu.dot_dimension_numbers<[1], [0], [0], [1], [0, 0, 1, 1], [], []>, transpose_lhs_hint = false} : vector<64x16xf32>, vector<16x1000xf32>, vector<64x1000xf32> -> vector<64x1000xf32>
    %add3A_56 = vector.broadcast %get3A_4 : vector<1x1000xf32> to vector<64x1000xf32>
    %add3A_57 = arith.addf %dot_general3A_55, %add3A_56 : vector<64x1000xf32>
    %swap3A_58 = arith.constant 0 : index
    %swap3A_59 = arith.constant 2 : index
    %swap3A_60 = arith.constant 0 : index
    %swap3A_61 = vector.load %arg5[%swap3A_58, %swap3A_59, %swap3A_60] : memref<64x20x1000xf32, #tpu.memory_space<vmem>>, vector<64x1x1000xf32>
    %swap3A_62 = vector.shape_cast %swap3A_61 : vector<64x1x1000xf32> to vector<64x1000xf32>
    %swap3A_63 = vector.shape_cast %add3A_57 : vector<64x1000xf32> to vector<64x1x1000xf32>
    tpu.vector_store %arg5[%swap3A_58, %swap3A_59, %swap3A_60], %swap3A_63 {strides = array<i32>} : memref<64x20x1000xf32, #tpu.memory_space<vmem>>, vector<64x1x1000xf32>,
    %slice3A_64 = vector.extract_strided_slice %get3A_12 {offsets = [0, 3, 0], sizes = [64, 1, 16], strides = [1, 1, 1]} : vector<64x20x16xf32> to vector<64x1x16xf32>
    %squeeze3A_65 = vector.shape_cast %slice3A_64 : vector<64x1x16xf32> to vector<64x16xf32>
    %slice3A_66 = vector.extract_strided_slice %get3A_12 {offsets = [0, 2, 0], sizes = [64, 1, 16], strides = [1, 1, 1]} : vector<64x20x16xf32> to vector<64x1x16xf32>
    %squeeze3A_67 = vector.shape_cast %slice3A_66 : vector<64x1x16xf32> to vector<64x16xf32>
    %slice3A_68 = vector.extract_strided_slice %get3A_12 {offsets = [0, 1, 0], sizes = [64, 1, 16], strides = [1, 1, 1]} : vector<64x20x16xf32> to vector<64x1x16xf32>
    %squeeze3A_69 = vector.shape_cast %slice3A_68 : vector<64x1x16xf32> to vector<64x16xf32>
    %add3A_70 = arith.addf %squeeze3A_65, %squeeze3A_67 : vector<64x16xf32>
    %add3A_71 = arith.addf %add3A_70, %squeeze3A_69 : vector<64x16xf32>
    %mul3A_72 = arith.constant 0.333333343 : f32
    %mul3A_73 = vector.broadcast %mul3A_72 : f32 to vector<64x16xf32>
    %mul3A_74 = arith.mulf %add3A_71, %mul3A_73 : vector<64x16xf32>
    %dot_general3A_75 = arith.constant dense<0.000000e+00> : vector<64x1000xf32>
    %dot_general3A_76 = tpu.matmul %mul3A_74, %get3A_1, %dot_general3A_75 {dimension_numbers = #tpu.dot_dimension_numbers<[1], [0], [0], [1], [0, 0, 1, 1], [], []>, transpose_lhs_hint = false} : vector<64x16xf32>, vector<16x1000xf32>, vector<64x1000xf32> -> vector<64x1000xf32>
    %add3A_77 = vector.broadcast %get3A_4 : vector<1x1000xf32> to vector<64x1000xf32>
    %add3A_78 = arith.addf %dot_general3A_76, %add3A_77 : vector<64x1000xf32>
    %swap3A_79 = arith.constant 0 : index
    %swap3A_80 = arith.constant 3 : index
    %swap3A_81 = arith.constant 0 : index
    %swap3A_82 = vector.load %arg5[%swap3A_79, %swap3A_80, %swap3A_81] : memref<64x20x1000xf32, #tpu.memory_space<vmem>>, vector<64x1x1000xf32>
    %swap3A_83 = vector.shape_cast %swap3A_82 : vector<64x1x1000xf32> to vector<64x1000xf32>
    %swap3A_84 = vector.shape_cast %add3A_78 : vector<64x1000xf32> to vector<64x1x1000xf32>
    tpu.vector_store %arg5[%swap3A_79, %swap3A_80, %swap3A_81], %swap3A_84 {strides = array<i32>} : memref<64x20x1000xf32, #tpu.memory_space<vmem>>, vector<64x1x1000xf32>,
    %slice3A_85 = vector.extract_strided_slice %get3A_12 {offsets = [0, 4, 0], sizes = [64, 1, 16], strides = [1, 1, 1]} : vector<64x20x16xf32> to vector<64x1x16xf32>
    %squeeze3A_86 = vector.shape_cast %slice3A_85 : vector<64x1x16xf32> to vector<64x16xf32>
    %slice3A_87 = vector.extract_strided_slice %get3A_12 {offsets = [0, 3, 0], sizes = [64, 1, 16], strides = [1, 1, 1]} : vector<64x20x16xf32> to vector<64x1x16xf32>
    %squeeze3A_88 = vector.shape_cast %slice3A_87 : vector<64x1x16xf32> to vector<64x16xf32>
    %slice3A_89 = vector.extract_strided_slice %get3A_12 {offsets = [0, 2, 0], sizes = [64, 1, 16], strides = [1, 1, 1]} : vector<64x20x16xf32> to vector<64x1x16xf32>
    %squeeze3A_90 = vector.shape_cast %slice3A_89 : vector<64x1x16xf32> to vector<64x16xf32>
    %add3A_91 = arith.addf %squeeze3A_86, %squeeze3A_88 : vector<64x16xf32>
    %add3A_92 = arith.addf %add3A_91, %squeeze3A_90 : vector<64x16xf32>
    %mul3A_93 = arith.constant 0.333333343 : f32
    %mul3A_94 = vector.broadcast %mul3A_93 : f32 to vector<64x16xf32>
    %mul3A_95 = arith.mulf %add3A_92, %mul3A_94 : vector<64x16xf32>
    %dot_general3A_96 = arith.constant dense<0.000000e+00> : vector<64x1000xf32>
    %dot_general3A_97 = tpu.matmul %mul3A_95, %get3A_1, %dot_general3A_96 {dimension_numbers = #tpu.dot_dimension_numbers<[1], [0], [0], [1], [0, 0, 1, 1], [], []>, transpose_lhs_hint = false} : vector<64x16xf32>, vector<16x1000xf32>, vector<64x1000xf32> -> vector<64x1000xf32>
    %add3A_98 = vector.broadcast %get3A_4 : vector<1x1000xf32> to vector<64x1000xf32>
    %add3A_99 = arith.addf %dot_general3A_97, %add3A_98 : vector<64x1000xf32>
    %swap3A_100 = arith.constant 0 : index
    %swap3A_101 = arith.constant 4 : index
    %swap3A_102 = arith.constant 0 : index
    %swap3A_103 = vector.load %arg5[%swap3A_100, %swap3A_101, %swap3A_102] : memref<64x20x1000xf32, #tpu.memory_space<vmem>>, vector<64x1x1000xf32>
    %swap3A_104 = vector.shape_cast %swap3A_103 : vector<64x1x1000xf32> to vector<64x1000xf32>
    %swap3A_105 = vector.shape_cast %add3A_99 : vector<64x1000xf32> to vector<64x1x1000xf32>
    tpu.vector_store %arg5[%swap3A_100, %swap3A_101, %swap3A_102], %swap3A_105 {strides = array<i32>} : memref<64x20x1000xf32, #tpu.memory_space<vmem>>, vector<64x1x1000xf32>,
    %slice3A_106 = vector.extract_strided_slice %get3A_12 {offsets = [0, 5, 0], sizes = [64, 1, 16], strides = [1, 1, 1]} : vector<64x20x16xf32> to vector<64x1x16xf32>
    %squeeze3A_107 = vector.shape_cast %slice3A_106 : vector<64x1x16xf32> to vector<64x16xf32>
    %slice3A_108 = vector.extract_strided_slice %get3A_12 {offsets = [0, 4, 0], sizes = [64, 1, 16], strides = [1, 1, 1]} : vector<64x20x16xf32> to vector<64x1x16xf32>
    %squeeze3A_109 = vector.shape_cast %slice3A_108 : vector<64x1x16xf32> to vector<64x16xf32>
    %slice3A_110 = vector.extract_strided_slice %get3A_12 {offsets = [0, 3, 0], sizes = [64, 1, 16], strides = [1, 1, 1]} : vector<64x20x16xf32> to vector<64x1x16xf32>
    %squeeze3A_111 = vector.shape_cast %slice3A_110 : vector<64x1x16xf32> to vector<64x16xf32>
    %add3A_112 = arith.addf %squeeze3A_107, %squeeze3A_109 : vector<64x16xf32>
    %add3A_113 = arith.addf %add3A_112, %squeeze3A_111 : vector<64x16xf32>
    %mul3A_114 = arith.constant 0.333333343 : f32
    %mul3A_115 = vector.broadcast %mul3A_114 : f32 to vector<64x16xf32>
    %mul3A_116 = arith.mulf %add3A_113, %mul3A_115 : vector<64x16xf32>
    %dot_general3A_117 = arith.constant dense<0.000000e+00> : vector<64x1000xf32>
    %dot_general3A_118 = tpu.matmul %mul3A_116, %get3A_1, %dot_general3A_117 {dimension_numbers = #tpu.dot_dimension_numbers<[1], [0], [0], [1], [0, 0, 1, 1], [], []>, transpose_lhs_hint = false} : vector<64x16xf32>, vector<16x1000xf32>, vector<64x1000xf32> -> vector<64x1000xf32>
    %add3A_119 = vector.broadcast %get3A_4 : vector<1x1000xf32> to vector<64x1000xf32>
    %add3A_120 = arith.addf %dot_general3A_118, %add3A_119 : vector<64x1000xf32>
    %swap3A_121 = arith.constant 0 : index
    %swap3A_122 = arith.constant 5 : index
    %swap3A_123 = arith.constant 0 : index
    %swap3A_124 = vector.load %arg5[%swap3A_121, %swap3A_122, %swap3A_123] : memref<64x20x1000xf32, #tpu.memory_space<vmem>>, vector<64x1x1000xf32>
    %swap3A_125 = vector.shape_cast %swap3A_124 : vector<64x1x1000xf32> to vector<64x1000xf32>
    %swap3A_126 = vector.shape_cast %add3A_120 : vector<64x1000xf32> to vector<64x1x1000xf32>
    tpu.vector_store %arg5[%swap3A_121, %swap3A_122, %swap3A_123], %swap3A_126 {strides = array<i32>} : memref<64x20x1000xf32, #tpu.memory_space<vmem>>, vector<64x1x1000xf32>,
    %slice3A_127 = vector.extract_strided_slice %get3A_12 {offsets = [0, 6, 0], sizes = [64, 1, 16], strides = [1, 1, 1]} : vector<64x20x16xf32> to vector<64x1x16xf32>
    %squeeze3A_128 = vector.shape_cast %slice3A_127 : vector<64x1x16xf32> to vector<64x16xf32>
    %slice3A_129 = vector.extract_strided_slice %get3A_12 {offsets = [0, 5, 0], sizes = [64, 1, 16], strides = [1, 1, 1]} : vector<64x20x16xf32> to vector<64x1x16xf32>
    %squeeze3A_130 = vector.shape_cast %slice3A_129 : vector<64x1x16xf32> to vector<64x16xf32>
    %slice3A_131 = vector.extract_strided_slice %get3A_12 {offsets = [0, 4, 0], sizes = [64, 1, 16], strides = [1, 1, 1]} : vector<64x20x16xf32> to vector<64x1x16xf32>
    %squeeze3A_132 = vector.shape_cast %slice3A_131 : vector<64x1x16xf32> to vector<64x16xf32>
    %add3A_133 = arith.addf %squeeze3A_128, %squeeze3A_130 : vector<64x16xf32>
    %add3A_134 = arith.addf %add3A_133, %squeeze3A_132 : vector<64x16xf32>
    %mul3A_135 = arith.constant 0.333333343 : f32
    %mul3A_136 = vector.broadcast %mul3A_135 : f32 to vector<64x16xf32>
    %mul3A_137 = arith.mulf %add3A_134, %mul3A_136 : vector<64x16xf32>
    %dot_general3A_138 = arith.constant dense<0.000000e+00> : vector<64x1000xf32>
    %dot_general3A_139 = tpu.matmul %mul3A_137, %get3A_1, %dot_general3A_138 {dimension_numbers = #tpu.dot_dimension_numbers<[1], [0], [0], [1], [0, 0, 1, 1], [], []>, transpose_lhs_hint = false} : vector<64x16xf32>, vector<16x1000xf32>, vector<64x1000xf32> -> vector<64x1000xf32>
    %add3A_140 = vector.broadcast %get3A_4 : vector<1x1000xf32> to vector<64x1000xf32>
    %add3A_141 = arith.addf %dot_general3A_139, %add3A_140 : vector<64x1000xf32>
    %swap3A_142 = arith.constant 0 : index
    %swap3A_143 = arith.constant 6 : index
    %swap3A_144 = arith.constant 0 : index
    %swap3A_145 = vector.load %arg5[%swap3A_142, %swap3A_143, %swap3A_144] : memref<64x20x1000xf32, #tpu.memory_space<vmem>>, vector<64x1x1000xf32>
    %swap3A_146 = vector.shape_cast %swap3A_145 : vector<64x1x1000xf32> to vector<64x1000xf32>
    %swap3A_147 = vector.shape_cast %add3A_141 : vector<64x1000xf32> to vector<64x1x1000xf32>
    tpu.vector_store %arg5[%swap3A_142, %swap3A_143, %swap3A_144], %swap3A_147 {strides = array<i32>} : memref<64x20x1000xf32, #tpu.memory_space<vmem>>, vector<64x1x1000xf32>,
    %slice3A_148 = vector.extract_strided_slice %get3A_12 {offsets = [0, 7, 0], sizes = [64, 1, 16], strides = [1, 1, 1]} : vector<64x20x16xf32> to vector<64x1x16xf32>
    %squeeze3A_149 = vector.shape_cast %slice3A_148 : vector<64x1x16xf32> to vector<64x16xf32>
    %slice3A_150 = vector.extract_strided_slice %get3A_12 {offsets = [0, 6, 0], sizes = [64, 1, 16], strides = [1, 1, 1]} : vector<64x20x16xf32> to vector<64x1x16xf32>
    %squeeze3A_151 = vector.shape_cast %slice3A_150 : vector<64x1x16xf32> to vector<64x16xf32>
    %slice3A_152 = vector.extract_strided_slice %get3A_12 {offsets = [0, 5, 0], sizes = [64, 1, 16], strides = [1, 1, 1]} : vector<64x20x16xf32> to vector<64x1x16xf32>
    %squeeze3A_153 = vector.shape_cast %slice3A_152 : vector<64x1x16xf32> to vector<64x16xf32>
    %add3A_154 = arith.addf %squeeze3A_149, %squeeze3A_151 : vector<64x16xf32>
    %add3A_155 = arith.addf %add3A_154, %squeeze3A_153 : vector<64x16xf32>
    %mul3A_156 = arith.constant 0.333333343 : f32
    %mul3A_157 = vector.broadcast %mul3A_156 : f32 to vector<64x16xf32>
    %mul3A_158 = arith.mulf %add3A_155, %mul3A_157 : vector<64x16xf32>
    %dot_general3A_159 = arith.constant dense<0.000000e+00> : vector<64x1000xf32>
    %dot_general3A_160 = tpu.matmul %mul3A_158, %get3A_1, %dot_general3A_159 {dimension_numbers = #tpu.dot_dimension_numbers<[1], [0], [0], [1], [0, 0, 1, 1], [], []>, transpose_lhs_hint = false} : vector<64x16xf32>, vector<16x1000xf32>, vector<64x1000xf32> -> vector<64x1000xf32>
    %add3A_161 = vector.broadcast %get3A_4 : vector<1x1000xf32> to vector<64x1000xf32>
    %add3A_162 = arith.addf %dot_general3A_160, %add3A_161 : vector<64x1000xf32>
    %swap3A_163 = arith.constant 0 : index
    %swap3A_164 = arith.constant 7 : index
    %swap3A_165 = arith.constant 0 : index
    %swap3A_166 = vector.load %arg5[%swap3A_163, %swap3A_164, %swap3A_165] : memref<64x20x1000xf32, #tpu.memory_space<vmem>>, vector<64x1x1000xf32>
    %swap3A_167 = vector.shape_cast %swap3A_166 : vector<64x1x1000xf32> to vector<64x1000xf32>
    %swap3A_168 = vector.shape_cast %add3A_162 : vector<64x1000xf32> to vector<64x1x1000xf32>
    tpu.vector_store %arg5[%swap3A_163, %swap3A_164, %swap3A_165], %swap3A_168 {strides = array<i32>} : memref<64x20x1000xf32, #tpu.memory_space<vmem>>, vector<64x1x1000xf32>,
    %slice3A_169 = vector.extract_strided_slice %get3A_12 {offsets = [0, 8, 0], sizes = [64, 1, 16], strides = [1, 1, 1]} : vector<64x20x16xf32> to vector<64x1x16xf32>
    %squeeze3A_170 = vector.shape_cast %slice3A_169 : vector<64x1x16xf32> to vector<64x16xf32>
    %slice3A_171 = vector.extract_strided_slice %get3A_12 {offsets = [0, 7, 0], sizes = [64, 1, 16], strides = [1, 1, 1]} : vector<64x20x16xf32> to vector<64x1x16xf32>
    %squeeze3A_172 = vector.shape_cast %slice3A_171 : vector<64x1x16xf32> to vector<64x16xf32>
    %slice3A_173 = vector.extract_strided_slice %get3A_12 {offsets = [0, 6, 0], sizes = [64, 1, 16], strides = [1, 1, 1]} : vector<64x20x16xf32> to vector<64x1x16xf32>
    %squeeze3A_174 = vector.shape_cast %slice3A_173 : vector<64x1x16xf32> to vector<64x16xf32>
    %add3A_175 = arith.addf %squeeze3A_170, %squeeze3A_172 : vector<64x16xf32>
    %add3A_176 = arith.addf %add3A_175, %squeeze3A_174 : vector<64x16xf32>
    %mul3A_177 = arith.constant 0.333333343 : f32
    %mul3A_178 = vector.broadcast %mul3A_177 : f32 to vector<64x16xf32>
    %mul3A_179 = arith.mulf %add3A_176, %mul3A_178 : vector<64x16xf32>
    %dot_general3A_180 = arith.constant dense<0.000000e+00> : vector<64x1000xf32>
    %dot_general3A_181 = tpu.matmul %mul3A_179, %get3A_1, %dot_general3A_180 {dimension_numbers = #tpu.dot_dimension_numbers<[1], [0], [0], [1], [0, 0, 1, 1], [], []>, transpose_lhs_hint = false} : vector<64x16xf32>, vector<16x1000xf32>, vector<64x1000xf32> -> vector<64x1000xf32>
    %add3A_182 = vector.broadcast %get3A_4 : vector<1x1000xf32> to vector<64x1000xf32>
    %add3A_183 = arith.addf %dot_general3A_181, %add3A_182 : vector<64x1000xf32>
    %swap3A_184 = arith.constant 0 : index
    %swap3A_185 = arith.constant 8 : index
    %swap3A_186 = arith.constant 0 : index
    %swap3A_187 = vector.load %arg5[%swap3A_184, %swap3A_185, %swap3A_186] : memref<64x20x1000xf32, #tpu.memory_space<vmem>>, vector<64x1x1000xf32>
    %swap3A_188 = vector.shape_cast %swap3A_187 : vector<64x1x1000xf32> to vector<64x1000xf32>
    %swap3A_189 = vector.shape_cast %add3A_183 : vector<64x1000xf32> to vector<64x1x1000xf32>
    tpu.vector_store %arg5[%swap3A_184, %swap3A_185, %swap3A_186], %swap3A_189 {strides = array<i32>} : memref<64x20x1000xf32, #tpu.memory_space<vmem>>, vector<64x1x1000xf32>,
    %slice3A_190 = vector.extract_strided_slice %get3A_12 {offsets = [0, 9, 0], sizes = [64, 1, 16], strides = [1, 1, 1]} : vector<64x20x16xf32> to vector<64x1x16xf32>
    %squeeze3A_191 = vector.shape_cast %slice3A_190 : vector<64x1x16xf32> to vector<64x16xf32>
    %slice3A_192 = vector.extract_strided_slice %get3A_12 {offsets = [0, 8, 0], sizes = [64, 1, 16], strides = [1, 1, 1]} : vector<64x20x16xf32> to vector<64x1x16xf32>
    %squeeze3A_193 = vector.shape_cast %slice3A_192 : vector<64x1x16xf32> to vector<64x16xf32>
    %slice3A_194 = vector.extract_strided_slice %get3A_12 {offsets = [0, 7, 0], sizes = [64, 1, 16], strides = [1, 1, 1]} : vector<64x20x16xf32> to vector<64x1x16xf32>
    %squeeze3A_195 = vector.shape_cast %slice3A_194 : vector<64x1x16xf32> to vector<64x16xf32>
    %add3A_196 = arith.addf %squeeze3A_191, %squeeze3A_193 : vector<64x16xf32>
    %add3A_197 = arith.addf %add3A_196, %squeeze3A_195 : vector<64x16xf32>
    %mul3A_198 = arith.constant 0.333333343 : f32
    %mul3A_199 = vector.broadcast %mul3A_198 : f32 to vector<64x16xf32>
    %mul3A_200 = arith.mulf %add3A_197, %mul3A_199 : vector<64x16xf32>
    %dot_general3A_201 = arith.constant dense<0.000000e+00> : vector<64x1000xf32>
    %dot_general3A_202 = tpu.matmul %mul3A_200, %get3A_1, %dot_general3A_201 {dimension_numbers = #tpu.dot_dimension_numbers<[1], [0], [0], [1], [0, 0, 1, 1], [], []>, transpose_lhs_hint = false} : vector<64x16xf32>, vector<16x1000xf32>, vector<64x1000xf32> -> vector<64x1000xf32>
    %add3A_203 = vector.broadcast %get3A_4 : vector<1x1000xf32> to vector<64x1000xf32>
    %add3A_204 = arith.addf %dot_general3A_202, %add3A_203 : vector<64x1000xf32>
    %swap3A_205 = arith.constant 0 : index
    %swap3A_206 = arith.constant 9 : index
    %swap3A_207 = arith.constant 0 : index
    %swap3A_208 = vector.load %arg5[%swap3A_205, %swap3A_206, %swap3A_207] : memref<64x20x1000xf32, #tpu.memory_space<vmem>>, vector<64x1x1000xf32>
    %swap3A_209 = vector.shape_cast %swap3A_208 : vector<64x1x1000xf32> to vector<64x1000xf32>
    %swap3A_210 = vector.shape_cast %add3A_204 : vector<64x1000xf32> to vector<64x1x1000xf32>
    tpu.vector_store %arg5[%swap3A_205, %swap3A_206, %swap3A_207], %swap3A_210 {strides = array<i32>} : memref<64x20x1000xf32, #tpu.memory_space<vmem>>, vector<64x1x1000xf32>,
    %slice3A_211 = vector.extract_strided_slice %get3A_12 {offsets = [0, 10, 0], sizes = [64, 1, 16], strides = [1, 1, 1]} : vector<64x20x16xf32> to vector<64x1x16xf32>
    %squeeze3A_212 = vector.shape_cast %slice3A_211 : vector<64x1x16xf32> to vector<64x16xf32>
    %slice3A_213 = vector.extract_strided_slice %get3A_12 {offsets = [0, 9, 0], sizes = [64, 1, 16], strides = [1, 1, 1]} : vector<64x20x16xf32> to vector<64x1x16xf32>
    %squeeze3A_214 = vector.shape_cast %slice3A_213 : vector<64x1x16xf32> to vector<64x16xf32>
    %slice3A_215 = vector.extract_strided_slice %get3A_12 {offsets = [0, 8, 0], sizes = [64, 1, 16], strides = [1, 1, 1]} : vector<64x20x16xf32> to vector<64x1x16xf32>
    %squeeze3A_216 = vector.shape_cast %slice3A_215 : vector<64x1x16xf32> to vector<64x16xf32>
    %add3A_217 = arith.addf %squeeze3A_212, %squeeze3A_214 : vector<64x16xf32>
    %add3A_218 = arith.addf %add3A_217, %squeeze3A_216 : vector<64x16xf32>
    %mul3A_219 = arith.constant 0.333333343 : f32
    %mul3A_220 = vector.broadcast %mul3A_219 : f32 to vector<64x16xf32>
    %mul3A_221 = arith.mulf %add3A_218, %mul3A_220 : vector<64x16xf32>
    %dot_general3A_222 = arith.constant dense<0.000000e+00> : vector<64x1000xf32>
    %dot_general3A_223 = tpu.matmul %mul3A_221, %get3A_1, %dot_general3A_222 {dimension_numbers = #tpu.dot_dimension_numbers<[1], [0], [0], [1], [0, 0, 1, 1], [], []>, transpose_lhs_hint = false} : vector<64x16xf32>, vector<16x1000xf32>, vector<64x1000xf32> -> vector<64x1000xf32>
    %add3A_224 = vector.broadcast %get3A_4 : vector<1x1000xf32> to vector<64x1000xf32>
    %add3A_225 = arith.addf %dot_general3A_223, %add3A_224 : vector<64x1000xf32>
    %swap3A_226 = arith.constant 0 : index
    %swap3A_227 = arith.constant 10 : index
    %swap3A_228 = arith.constant 0 : index
    %swap3A_229 = vector.load %arg5[%swap3A_226, %swap3A_227, %swap3A_228] : memref<64x20x1000xf32, #tpu.memory_space<vmem>>, vector<64x1x1000xf32>
    %swap3A_230 = vector.shape_cast %swap3A_229 : vector<64x1x1000xf32> to vector<64x1000xf32>
    %swap3A_231 = vector.shape_cast %add3A_225 : vector<64x1000xf32> to vector<64x1x1000xf32>
    tpu.vector_store %arg5[%swap3A_226, %swap3A_227, %swap3A_228], %swap3A_231 {strides = array<i32>} : memref<64x20x1000xf32, #tpu.memory_space<vmem>>, vector<64x1x1000xf32>,
    %slice3A_232 = vector.extract_strided_slice %get3A_12 {offsets = [0, 11, 0], sizes = [64, 1, 16], strides = [1, 1, 1]} : vector<64x20x16xf32> to vector<64x1x16xf32>
    %squeeze3A_233 = vector.shape_cast %slice3A_232 : vector<64x1x16xf32> to vector<64x16xf32>
    %slice3A_234 = vector.extract_strided_slice %get3A_12 {offsets = [0, 10, 0], sizes = [64, 1, 16], strides = [1, 1, 1]} : vector<64x20x16xf32> to vector<64x1x16xf32>
    %squeeze3A_235 = vector.shape_cast %slice3A_234 : vector<64x1x16xf32> to vector<64x16xf32>
    %slice3A_236 = vector.extract_strided_slice %get3A_12 {offsets = [0, 9, 0], sizes = [64, 1, 16], strides = [1, 1, 1]} : vector<64x20x16xf32> to vector<64x1x16xf32>
    %squeeze3A_237 = vector.shape_cast %slice3A_236 : vector<64x1x16xf32> to vector<64x16xf32>
    %add3A_238 = arith.addf %squeeze3A_233, %squeeze3A_235 : vector<64x16xf32>
    %add3A_239 = arith.addf %add3A_238, %squeeze3A_237 : vector<64x16xf32>
    %mul3A_240 = arith.constant 0.333333343 : f32
    %mul3A_241 = vector.broadcast %mul3A_240 : f32 to vector<64x16xf32>
    %mul3A_242 = arith.mulf %add3A_239, %mul3A_241 : vector<64x16xf32>
    %dot_general3A_243 = arith.constant dense<0.000000e+00> : vector<64x1000xf32>
    %dot_general3A_244 = tpu.matmul %mul3A_242, %get3A_1, %dot_general3A_243 {dimension_numbers = #tpu.dot_dimension_numbers<[1], [0], [0], [1], [0, 0, 1, 1], [], []>, transpose_lhs_hint = false} : vector<64x16xf32>, vector<16x1000xf32>, vector<64x1000xf32> -> vector<64x1000xf32>
    %add3A_245 = vector.broadcast %get3A_4 : vector<1x1000xf32> to vector<64x1000xf32>
    %add3A_246 = arith.addf %dot_general3A_244, %add3A_245 : vector<64x1000xf32>
    %swap3A_247 = arith.constant 0 : index
    %swap3A_248 = arith.constant 11 : index
    %swap3A_249 = arith.constant 0 : index
    %swap3A_250 = vector.load %arg5[%swap3A_247, %swap3A_248, %swap3A_249] : memref<64x20x1000xf32, #tpu.memory_space<vmem>>, vector<64x1x1000xf32>
    %swap3A_251 = vector.shape_cast %swap3A_250 : vector<64x1x1000xf32> to vector<64x1000xf32>
    %swap3A_252 = vector.shape_cast %add3A_246 : vector<64x1000xf32> to vector<64x1x1000xf32>
    tpu.vector_store %arg5[%swap3A_247, %swap3A_248, %swap3A_249], %swap3A_252 {strides = array<i32>} : memref<64x20x1000xf32, #tpu.memory_space<vmem>>, vector<64x1x1000xf32>,
    %slice3A_253 = vector.extract_strided_slice %get3A_12 {offsets = [0, 12, 0], sizes = [64, 1, 16], strides = [1, 1, 1]} : vector<64x20x16xf32> to vector<64x1x16xf32>
    %squeeze3A_254 = vector.shape_cast %slice3A_253 : vector<64x1x16xf32> to vector<64x16xf32>
    %slice3A_255 = vector.extract_strided_slice %get3A_12 {offsets = [0, 11, 0], sizes = [64, 1, 16], strides = [1, 1, 1]} : vector<64x20x16xf32> to vector<64x1x16xf32>
    %squeeze3A_256 = vector.shape_cast %slice3A_255 : vector<64x1x16xf32> to vector<64x16xf32>
    %slice3A_257 = vector.extract_strided_slice %get3A_12 {offsets = [0, 10, 0], sizes = [64, 1, 16], strides = [1, 1, 1]} : vector<64x20x16xf32> to vector<64x1x16xf32>
    %squeeze3A_258 = vector.shape_cast %slice3A_257 : vector<64x1x16xf32> to vector<64x16xf32>
    %add3A_259 = arith.addf %squeeze3A_254, %squeeze3A_256 : vector<64x16xf32>
    %add3A_260 = arith.addf %add3A_259, %squeeze3A_258 : vector<64x16xf32>
    %mul3A_261 = arith.constant 0.333333343 : f32
    %mul3A_262 = vector.broadcast %mul3A_261 : f32 to vector<64x16xf32>
    %mul3A_263 = arith.mulf %add3A_260, %mul3A_262 : vector<64x16xf32>
    %dot_general3A_264 = arith.constant dense<0.000000e+00> : vector<64x1000xf32>
    %dot_general3A_265 = tpu.matmul %mul3A_263, %get3A_1, %dot_general3A_264 {dimension_numbers = #tpu.dot_dimension_numbers<[1], [0], [0], [1], [0, 0, 1, 1], [], []>, transpose_lhs_hint = false} : vector<64x16xf32>, vector<16x1000xf32>, vector<64x1000xf32> -> vector<64x1000xf32>
    %add3A_266 = vector.broadcast %get3A_4 : vector<1x1000xf32> to vector<64x1000xf32>
    %add3A_267 = arith.addf %dot_general3A_265, %add3A_266 : vector<64x1000xf32>
    %swap3A_268 = arith.constant 0 : index
    %swap3A_269 = arith.constant 12 : index
    %swap3A_270 = arith.constant 0 : index
    %swap3A_271 = vector.load %arg5[%swap3A_268, %swap3A_269, %swap3A_270] : memref<64x20x1000xf32, #tpu.memory_space<vmem>>, vector<64x1x1000xf32>
    %swap3A_272 = vector.shape_cast %swap3A_271 : vector<64x1x1000xf32> to vector<64x1000xf32>
    %swap3A_273 = vector.shape_cast %add3A_267 : vector<64x1000xf32> to vector<64x1x1000xf32>
    tpu.vector_store %arg5[%swap3A_268, %swap3A_269, %swap3A_270], %swap3A_273 {strides = array<i32>} : memref<64x20x1000xf32, #tpu.memory_space<vmem>>, vector<64x1x1000xf32>,
    %slice3A_274 = vector.extract_strided_slice %get3A_12 {offsets = [0, 13, 0], sizes = [64, 1, 16], strides = [1, 1, 1]} : vector<64x20x16xf32> to vector<64x1x16xf32>
    %squeeze3A_275 = vector.shape_cast %slice3A_274 : vector<64x1x16xf32> to vector<64x16xf32>
    %slice3A_276 = vector.extract_strided_slice %get3A_12 {offsets = [0, 12, 0], sizes = [64, 1, 16], strides = [1, 1, 1]} : vector<64x20x16xf32> to vector<64x1x16xf32>
    %squeeze3A_277 = vector.shape_cast %slice3A_276 : vector<64x1x16xf32> to vector<64x16xf32>
    %slice3A_278 = vector.extract_strided_slice %get3A_12 {offsets = [0, 11, 0], sizes = [64, 1, 16], strides = [1, 1, 1]} : vector<64x20x16xf32> to vector<64x1x16xf32>
    %squeeze3A_279 = vector.shape_cast %slice3A_278 : vector<64x1x16xf32> to vector<64x16xf32>
    %add3A_280 = arith.addf %squeeze3A_275, %squeeze3A_277 : vector<64x16xf32>
    %add3A_281 = arith.addf %add3A_280, %squeeze3A_279 : vector<64x16xf32>
    %mul3A_282 = arith.constant 0.333333343 : f32
    %mul3A_283 = vector.broadcast %mul3A_282 : f32 to vector<64x16xf32>
    %mul3A_284 = arith.mulf %add3A_281, %mul3A_283 : vector<64x16xf32>
    %dot_general3A_285 = arith.constant dense<0.000000e+00> : vector<64x1000xf32>
    %dot_general3A_286 = tpu.matmul %mul3A_284, %get3A_1, %dot_general3A_285 {dimension_numbers = #tpu.dot_dimension_numbers<[1], [0], [0], [1], [0, 0, 1, 1], [], []>, transpose_lhs_hint = false} : vector<64x16xf32>, vector<16x1000xf32>, vector<64x1000xf32> -> vector<64x1000xf32>
    %add3A_287 = vector.broadcast %get3A_4 : vector<1x1000xf32> to vector<64x1000xf32>
    %add3A_288 = arith.addf %dot_general3A_286, %add3A_287 : vector<64x1000xf32>
    %swap3A_289 = arith.constant 0 : index
    %swap3A_290 = arith.constant 13 : index
    %swap3A_291 = arith.constant 0 : index
    %swap3A_292 = vector.load %arg5[%swap3A_289, %swap3A_290, %swap3A_291] : memref<64x20x1000xf32, #tpu.memory_space<vmem>>, vector<64x1x1000xf32>
    %swap3A_293 = vector.shape_cast %swap3A_292 : vector<64x1x1000xf32> to vector<64x1000xf32>
    %swap3A_294 = vector.shape_cast %add3A_288 : vector<64x1000xf32> to vector<64x1x1000xf32>
    tpu.vector_store %arg5[%swap3A_289, %swap3A_290, %swap3A_291], %swap3A_294 {strides = array<i32>} : memref<64x20x1000xf32, #tpu.memory_space<vmem>>, vector<64x1x1000xf32>,
    %slice3A_295 = vector.extract_strided_slice %get3A_12 {offsets = [0, 14, 0], sizes = [64, 1, 16], strides = [1, 1, 1]} : vector<64x20x16xf32> to vector<64x1x16xf32>
    %squeeze3A_296 = vector.shape_cast %slice3A_295 : vector<64x1x16xf32> to vector<64x16xf32>
    %slice3A_297 = vector.extract_strided_slice %get3A_12 {offsets = [0, 13, 0], sizes = [64, 1, 16], strides = [1, 1, 1]} : vector<64x20x16xf32> to vector<64x1x16xf32>
    %squeeze3A_298 = vector.shape_cast %slice3A_297 : vector<64x1x16xf32> to vector<64x16xf32>
    %slice3A_299 = vector.extract_strided_slice %get3A_12 {offsets = [0, 12, 0], sizes = [64, 1, 16], strides = [1, 1, 1]} : vector<64x20x16xf32> to vector<64x1x16xf32>
    %squeeze3A_300 = vector.shape_cast %slice3A_299 : vector<64x1x16xf32> to vector<64x16xf32>
    %add3A_301 = arith.addf %squeeze3A_296, %squeeze3A_298 : vector<64x16xf32>
    %add3A_302 = arith.addf %add3A_301, %squeeze3A_300 : vector<64x16xf32>
    %mul3A_303 = arith.constant 0.333333343 : f32
    %mul3A_304 = vector.broadcast %mul3A_303 : f32 to vector<64x16xf32>
    %mul3A_305 = arith.mulf %add3A_302, %mul3A_304 : vector<64x16xf32>
    %dot_general3A_306 = arith.constant dense<0.000000e+00> : vector<64x1000xf32>
    %dot_general3A_307 = tpu.matmul %mul3A_305, %get3A_1, %dot_general3A_306 {dimension_numbers = #tpu.dot_dimension_numbers<[1], [0], [0], [1], [0, 0, 1, 1], [], []>, transpose_lhs_hint = false} : vector<64x16xf32>, vector<16x1000xf32>, vector<64x1000xf32> -> vector<64x1000xf32>
    %add3A_308 = vector.broadcast %get3A_4 : vector<1x1000xf32> to vector<64x1000xf32>
    %add3A_309 = arith.addf %dot_general3A_307, %add3A_308 : vector<64x1000xf32>
    %swap3A_310 = arith.constant 0 : index
    %swap3A_311 = arith.constant 14 : index
    %swap3A_312 = arith.constant 0 : index
    %swap3A_313 = vector.load %arg5[%swap3A_310, %swap3A_311, %swap3A_312] : memref<64x20x1000xf32, #tpu.memory_space<vmem>>, vector<64x1x1000xf32>
    %swap3A_314 = vector.shape_cast %swap3A_313 : vector<64x1x1000xf32> to vector<64x1000xf32>
    %swap3A_315 = vector.shape_cast %add3A_309 : vector<64x1000xf32> to vector<64x1x1000xf32>
    tpu.vector_store %arg5[%swap3A_310, %swap3A_311, %swap3A_312], %swap3A_315 {strides = array<i32>} : memref<64x20x1000xf32, #tpu.memory_space<vmem>>, vector<64x1x1000xf32>,
    %slice3A_316 = vector.extract_strided_slice %get3A_12 {offsets = [0, 15, 0], sizes = [64, 1, 16], strides = [1, 1, 1]} : vector<64x20x16xf32> to vector<64x1x16xf32>
    %squeeze3A_317 = vector.shape_cast %slice3A_316 : vector<64x1x16xf32> to vector<64x16xf32>
    %slice3A_318 = vector.extract_strided_slice %get3A_12 {offsets = [0, 14, 0], sizes = [64, 1, 16], strides = [1, 1, 1]} : vector<64x20x16xf32> to vector<64x1x16xf32>
    %squeeze3A_319 = vector.shape_cast %slice3A_318 : vector<64x1x16xf32> to vector<64x16xf32>
    %slice3A_320 = vector.extract_strided_slice %get3A_12 {offsets = [0, 13, 0], sizes = [64, 1, 16], strides = [1, 1, 1]} : vector<64x20x16xf32> to vector<64x1x16xf32>
    %squeeze3A_321 = vector.shape_cast %slice3A_320 : vector<64x1x16xf32> to vector<64x16xf32>
    %add3A_322 = arith.addf %squeeze3A_317, %squeeze3A_319 : vector<64x16xf32>
    %add3A_323 = arith.addf %add3A_322, %squeeze3A_321 : vector<64x16xf32>
    %mul3A_324 = arith.constant 0.333333343 : f32
    %mul3A_325 = vector.broadcast %mul3A_324 : f32 to vector<64x16xf32>
    %mul3A_326 = arith.mulf %add3A_323, %mul3A_325 : vector<64x16xf32>
    %dot_general3A_327 = arith.constant dense<0.000000e+00> : vector<64x1000xf32>
    %dot_general3A_328 = tpu.matmul %mul3A_326, %get3A_1, %dot_general3A_327 {dimension_numbers = #tpu.dot_dimension_numbers<[1], [0], [0], [1], [0, 0, 1, 1], [], []>, transpose_lhs_hint = false} : vector<64x16xf32>, vector<16x1000xf32>, vector<64x1000xf32> -> vector<64x1000xf32>
    %add3A_329 = vector.broadcast %get3A_4 : vector<1x1000xf32> to vector<64x1000xf32>
    %add3A_330 = arith.addf %dot_general3A_328, %add3A_329 : vector<64x1000xf32>
    %swap3A_331 = arith.constant 0 : index
    %swap3A_332 = arith.constant 15 : index
    %swap3A_333 = arith.constant 0 : index
    %swap3A_334 = vector.load %arg5[%swap3A_331, %swap3A_332, %swap3A_333] : memref<64x20x1000xf32, #tpu.memory_space<vmem>>, vector<64x1x1000xf32>
    %swap3A_335 = vector.shape_cast %swap3A_334 : vector<64x1x1000xf32> to vector<64x1000xf32>
    %swap3A_336 = vector.shape_cast %add3A_330 : vector<64x1000xf32> to vector<64x1x1000xf32>
    tpu.vector_store %arg5[%swap3A_331, %swap3A_332, %swap3A_333], %swap3A_336 {strides = array<i32>} : memref<64x20x1000xf32, #tpu.memory_space<vmem>>, vector<64x1x1000xf32>,
    %slice3A_337 = vector.extract_strided_slice %get3A_12 {offsets = [0, 16, 0], sizes = [64, 1, 16], strides = [1, 1, 1]} : vector<64x20x16xf32> to vector<64x1x16xf32>
    %squeeze3A_338 = vector.shape_cast %slice3A_337 : vector<64x1x16xf32> to vector<64x16xf32>
    %slice3A_339 = vector.extract_strided_slice %get3A_12 {offsets = [0, 15, 0], sizes = [64, 1, 16], strides = [1, 1, 1]} : vector<64x20x16xf32> to vector<64x1x16xf32>
    %squeeze3A_340 = vector.shape_cast %slice3A_339 : vector<64x1x16xf32> to vector<64x16xf32>
    %slice3A_341 = vector.extract_strided_slice %get3A_12 {offsets = [0, 14, 0], sizes = [64, 1, 16], strides = [1, 1, 1]} : vector<64x20x16xf32> to vector<64x1x16xf32>
    %squeeze3A_342 = vector.shape_cast %slice3A_341 : vector<64x1x16xf32> to vector<64x16xf32>
    %add3A_343 = arith.addf %squeeze3A_338, %squeeze3A_340 : vector<64x16xf32>
    %add3A_344 = arith.addf %add3A_343, %squeeze3A_342 : vector<64x16xf32>
    %mul3A_345 = arith.constant 0.333333343 : f32
    %mul3A_346 = vector.broadcast %mul3A_345 : f32 to vector<64x16xf32>
    %mul3A_347 = arith.mulf %add3A_344, %mul3A_346 : vector<64x16xf32>
    %dot_general3A_348 = arith.constant dense<0.000000e+00> : vector<64x1000xf32>
    %dot_general3A_349 = tpu.matmul %mul3A_347, %get3A_1, %dot_general3A_348 {dimension_numbers = #tpu.dot_dimension_numbers<[1], [0], [0], [1], [0, 0, 1, 1], [], []>, transpose_lhs_hint = false} : vector<64x16xf32>, vector<16x1000xf32>, vector<64x1000xf32> -> vector<64x1000xf32>
    %add3A_350 = vector.broadcast %get3A_4 : vector<1x1000xf32> to vector<64x1000xf32>
    %add3A_351 = arith.addf %dot_general3A_349, %add3A_350 : vector<64x1000xf32>
    %swap3A_352 = arith.constant 0 : index
    %swap3A_353 = arith.constant 16 : index
    %swap3A_354 = arith.constant 0 : index
    %swap3A_355 = vector.load %arg5[%swap3A_352, %swap3A_353, %swap3A_354] : memref<64x20x1000xf32, #tpu.memory_space<vmem>>, vector<64x1x1000xf32>
    %swap3A_356 = vector.shape_cast %swap3A_355 : vector<64x1x1000xf32> to vector<64x1000xf32>
    %swap3A_357 = vector.shape_cast %add3A_351 : vector<64x1000xf32> to vector<64x1x1000xf32>
    tpu.vector_store %arg5[%swap3A_352, %swap3A_353, %swap3A_354], %swap3A_357 {strides = array<i32>} : memref<64x20x1000xf32, #tpu.memory_space<vmem>>, vector<64x1x1000xf32>,
    %slice3A_358 = vector.extract_strided_slice %get3A_12 {offsets = [0, 17, 0], sizes = [64, 1, 16], strides = [1, 1, 1]} : vector<64x20x16xf32> to vector<64x1x16xf32>
    %squeeze3A_359 = vector.shape_cast %slice3A_358 : vector<64x1x16xf32> to vector<64x16xf32>
    %slice3A_360 = vector.extract_strided_slice %get3A_12 {offsets = [0, 16, 0], sizes = [64, 1, 16], strides = [1, 1, 1]} : vector<64x20x16xf32> to vector<64x1x16xf32>
    %squeeze3A_361 = vector.shape_cast %slice3A_360 : vector<64x1x16xf32> to vector<64x16xf32>
    %slice3A_362 = vector.extract_strided_slice %get3A_12 {offsets = [0, 15, 0], sizes = [64, 1, 16], strides = [1, 1, 1]} : vector<64x20x16xf32> to vector<64x1x16xf32>
    %squeeze3A_363 = vector.shape_cast %slice3A_362 : vector<64x1x16xf32> to vector<64x16xf32>
    %add3A_364 = arith.addf %squeeze3A_359, %squeeze3A_361 : vector<64x16xf32>
    %add3A_365 = arith.addf %add3A_364, %squeeze3A_363 : vector<64x16xf32>
    %mul3A_366 = arith.constant 0.333333343 : f32
    %mul3A_367 = vector.broadcast %mul3A_366 : f32 to vector<64x16xf32>
    %mul3A_368 = arith.mulf %add3A_365, %mul3A_367 : vector<64x16xf32>
    %dot_general3A_369 = arith.constant dense<0.000000e+00> : vector<64x1000xf32>
    %dot_general3A_370 = tpu.matmul %mul3A_368, %get3A_1, %dot_general3A_369 {dimension_numbers = #tpu.dot_dimension_numbers<[1], [0], [0], [1], [0, 0, 1, 1], [], []>, transpose_lhs_hint = false} : vector<64x16xf32>, vector<16x1000xf32>, vector<64x1000xf32> -> vector<64x1000xf32>
    %add3A_371 = vector.broadcast %get3A_4 : vector<1x1000xf32> to vector<64x1000xf32>
    %add3A_372 = arith.addf %dot_general3A_370, %add3A_371 : vector<64x1000xf32>
    %swap3A_373 = arith.constant 0 : index
    %swap3A_374 = arith.constant 17 : index
    %swap3A_375 = arith.constant 0 : index
    %swap3A_376 = vector.load %arg5[%swap3A_373, %swap3A_374, %swap3A_375] : memref<64x20x1000xf32, #tpu.memory_space<vmem>>, vector<64x1x1000xf32>
    %swap3A_377 = vector.shape_cast %swap3A_376 : vector<64x1x1000xf32> to vector<64x1000xf32>
    %swap3A_378 = vector.shape_cast %add3A_372 : vector<64x1000xf32> to vector<64x1x1000xf32>
    tpu.vector_store %arg5[%swap3A_373, %swap3A_374, %swap3A_375], %swap3A_378 {strides = array<i32>} : memref<64x20x1000xf32, #tpu.memory_space<vmem>>, vector<64x1x1000xf32>,
    %slice3A_379 = vector.extract_strided_slice %get3A_12 {offsets = [0, 18, 0], sizes = [64, 1, 16], strides = [1, 1, 1]} : vector<64x20x16xf32> to vector<64x1x16xf32>
    %squeeze3A_380 = vector.shape_cast %slice3A_379 : vector<64x1x16xf32> to vector<64x16xf32>
    %slice3A_381 = vector.extract_strided_slice %get3A_12 {offsets = [0, 17, 0], sizes = [64, 1, 16], strides = [1, 1, 1]} : vector<64x20x16xf32> to vector<64x1x16xf32>
    %squeeze3A_382 = vector.shape_cast %slice3A_381 : vector<64x1x16xf32> to vector<64x16xf32>
    %slice3A_383 = vector.extract_strided_slice %get3A_12 {offsets = [0, 16, 0], sizes = [64, 1, 16], strides = [1, 1, 1]} : vector<64x20x16xf32> to vector<64x1x16xf32>
    %squeeze3A_384 = vector.shape_cast %slice3A_383 : vector<64x1x16xf32> to vector<64x16xf32>
    %add3A_385 = arith.addf %squeeze3A_380, %squeeze3A_382 : vector<64x16xf32>
    %add3A_386 = arith.addf %add3A_385, %squeeze3A_384 : vector<64x16xf32>
    %mul3A_387 = arith.constant 0.333333343 : f32
    %mul3A_388 = vector.broadcast %mul3A_387 : f32 to vector<64x16xf32>
    %mul3A_389 = arith.mulf %add3A_386, %mul3A_388 : vector<64x16xf32>
    %dot_general3A_390 = arith.constant dense<0.000000e+00> : vector<64x1000xf32>
    %dot_general3A_391 = tpu.matmul %mul3A_389, %get3A_1, %dot_general3A_390 {dimension_numbers = #tpu.dot_dimension_numbers<[1], [0], [0], [1], [0, 0, 1, 1], [], []>, transpose_lhs_hint = false} : vector<64x16xf32>, vector<16x1000xf32>, vector<64x1000xf32> -> vector<64x1000xf32>
    %add3A_392 = vector.broadcast %get3A_4 : vector<1x1000xf32> to vector<64x1000xf32>
    %add3A_393 = arith.addf %dot_general3A_391, %add3A_392 : vector<64x1000xf32>
    %swap3A_394 = arith.constant 0 : index
    %swap3A_395 = arith.constant 18 : index
    %swap3A_396 = arith.constant 0 : index
    %swap3A_397 = vector.load %arg5[%swap3A_394, %swap3A_395, %swap3A_396] : memref<64x20x1000xf32, #tpu.memory_space<vmem>>, vector<64x1x1000xf32>
    %swap3A_398 = vector.shape_cast %swap3A_397 : vector<64x1x1000xf32> to vector<64x1000xf32>
    %swap3A_399 = vector.shape_cast %add3A_393 : vector<64x1000xf32> to vector<64x1x1000xf32>
    tpu.vector_store %arg5[%swap3A_394, %swap3A_395, %swap3A_396], %swap3A_399 {strides = array<i32>} : memref<64x20x1000xf32, #tpu.memory_space<vmem>>, vector<64x1x1000xf32>,
    %slice3A_400 = vector.extract_strided_slice %get3A_12 {offsets = [0, 19, 0], sizes = [64, 1, 16], strides = [1, 1, 1]} : vector<64x20x16xf32> to vector<64x1x16xf32>
    %squeeze3A_401 = vector.shape_cast %slice3A_400 : vector<64x1x16xf32> to vector<64x16xf32>
    %slice3A_402 = vector.extract_strided_slice %get3A_12 {offsets = [0, 18, 0], sizes = [64, 1, 16], strides = [1, 1, 1]} : vector<64x20x16xf32> to vector<64x1x16xf32>
    %squeeze3A_403 = vector.shape_cast %slice3A_402 : vector<64x1x16xf32> to vector<64x16xf32>
    %slice3A_404 = vector.extract_strided_slice %get3A_12 {offsets = [0, 17, 0], sizes = [64, 1, 16], strides = [1, 1, 1]} : vector<64x20x16xf32> to vector<64x1x16xf32>
    %squeeze3A_405 = vector.shape_cast %slice3A_404 : vector<64x1x16xf32> to vector<64x16xf32>
    %add3A_406 = arith.addf %squeeze3A_401, %squeeze3A_403 : vector<64x16xf32>
    %add3A_407 = arith.addf %add3A_406, %squeeze3A_405 : vector<64x16xf32>
    %mul3A_408 = arith.constant 0.333333343 : f32
    %mul3A_409 = vector.broadcast %mul3A_408 : f32 to vector<64x16xf32>
    %mul3A_410 = arith.mulf %add3A_407, %mul3A_409 : vector<64x16xf32>
    %dot_general3A_411 = arith.constant dense<0.000000e+00> : vector<64x1000xf32>
    %dot_general3A_412 = tpu.matmul %mul3A_410, %get3A_1, %dot_general3A_411 {dimension_numbers = #tpu.dot_dimension_numbers<[1], [0], [0], [1], [0, 0, 1, 1], [], []>, transpose_lhs_hint = false} : vector<64x16xf32>, vector<16x1000xf32>, vector<64x1000xf32> -> vector<64x1000xf32>
    %add3A_413 = vector.broadcast %get3A_4 : vector<1x1000xf32> to vector<64x1000xf32>
    %add3A_414 = arith.addf %dot_general3A_412, %add3A_413 : vector<64x1000xf32>
    %swap3A_415 = arith.constant 0 : index
    %swap3A_416 = arith.constant 19 : index
    %swap3A_417 = arith.constant 0 : index
    %swap3A_418 = vector.load %arg5[%swap3A_415, %swap3A_416, %swap3A_417] : memref<64x20x1000xf32, #tpu.memory_space<vmem>>, vector<64x1x1000xf32>
    %swap3A_419 = vector.shape_cast %swap3A_418 : vector<64x1x1000xf32> to vector<64x1000xf32>
    %swap3A_420 = vector.shape_cast %add3A_414 : vector<64x1000xf32> to vector<64x1x1000xf32>
    tpu.vector_store %arg5[%swap3A_415, %swap3A_416, %swap3A_417], %swap3A_420 {strides = array<i32>} : memref<64x20x1000xf32, #tpu.memory_space<vmem>>, vector<64x1x1000xf32>,
    return
  }
  func.func @transform_0(%arg0: i32) -> (i32, i32, i32) {
    %c0_i32 = arith.constant 0 : i32
    %c0_i32_0 = arith.constant 0 : i32
    %c0_i32_1 = arith.constant 0 : i32
    return %arg0, %c0_i32, %c0_i32_0 : i32, i32, i32
  }
  func.func @transform_1(%arg0: i32) -> (i32, i32) {
    %c0_i32 = arith.constant 0 : i32
    %c0_i32_0 = arith.constant 0 : i32
    %c0_i32_1 = arith.constant 0 : i32
    return %c0_i32, %c0_i32_0 : i32, i32
  }
  func.func @transform_2(%arg0: i32) -> (i32, i32) {
    %c0_i32 = arith.constant 0 : i32
    %c0_i32_0 = arith.constant 0 : i32
    %c0_i32_1 = arith.constant 0 : i32
    return %c0_i32, %c0_i32_0 : i32, i32
  }
  func.func @transform_3(%arg0: i32) -> (i32, i32) {
    %c0_i32 = arith.constant 0 : i32
    %c0_i32_0 = arith.constant 0 : i32
    %c0_i32_1 = arith.constant 0 : i32
    return %c0_i32, %c0_i32_0 : i32, i32
  }
  func.func @transform_4(%arg0: i32) -> (i32, i32, i32) {
    %c0_i32 = arith.constant 0 : i32
    %c0_i32_0 = arith.constant 0 : i32
    %c0_i32_1 = arith.constant 0 : i32
    return %arg0, %c0_i32, %c0_i32_0 : i32, i32, i32
  }
}

</mosaic_0001>

<sc_bundles>
// kernel: kernel.4.cloned.1.call-start
scs
__scs_entry_jumppad:
0x0: {  	(pc) =	sbr.rel $0x88, $3  }
0x1: {  	(tag) =	ssettag $0x0;
	lr =	simm.s32 $0x1  }
0x2: {  	[smem:$0x3F9D] =	sst lr;
	_ =	strace $0xD0000000  }
0x3: {  	_ = 	snop  }
0x4: {  	_ = 	snop  }
0x5: {  	_ = 	snop  }
0x6: {  	_ = 	snop  }
0x7: {  	_ = 	snop  }
__scs_overlays_trampoline_lowered:
0x8: {  	[smem:$0x3FAC] =	sst s0  }
0x9: {  	[smem:$0x3FAD] =	sst s1  }
0xa: {  	[smem:$0x3FAE] =	sst s2  }
0xb: {  	[smem:$0x3FAF] =	sst s3  }
0xc: {  	[smem:$0x3FB0] =	sst s4  }
0xd: {  	[smem:$0x3FB1] =	sst s5  }
0xe: {  	[smem:$0x3FB2] =	sst s6  }
0xf: {  	[smem:$0x3FB3] =	sst s7  }
0x10: {  	[smem:$0x3FB4] =	sst s8  }
0x11: {  	[smem:$0x3FB5] =	sst s9;
	s0 =	simm.s32 @!p0 $0x0  }
0x12: {  	s1 =	sld [smem:$0x3F9B];
	s0 =	simm.s32 @p0 $0x1  }
0x13: {  	[smem:$0x3FB6] =	sst s0;
	s0 =	simm.s32 @!p1 $0x0  }
0x14: {  	s2 =	sld [smem:$0x3F9A];
	s0 =	simm.s32 @p1 $0x1  }
0x15: {  	[smem:$0x3FB7] =	sst s0;
	s0 =	simm.s32 @!p2 $0x0  }
0x16: {  	s3 =	sld [smem:$0x3FDB];
	s0 =	simm.s32 @p2 $0x1  }
0x17: {  	s4 =	simm.s32 $0x1BF5;
	[smem:$0x3FB9] =	sst s0  }
0x18: {  	s0 =	sld [smem:$0x3F9C];
	_ =	swait.ge [sflag:s4], $0x0  }
0x19: {  	s7 =	sld [smem:$0x3F9D]  }
0x1a: {  	s8 =	sadd.s32 $0xFFFFE003, lr  }
0x1b: {  	s9 =	sadd.s32 $0xFFFFFEF7, lr;
	s5 =	simm.s32 $0xFFFFFFFF;
	p2 =	slt.u32 s8, $0xFFFFF086  }
0x1c: {  	p1 =	slt.u32 s9, $0xF7A;
	s5 =	simm.s32 @!p2 $0x0  }
0x1d: {  	s5 =	simm.s32 @p1 $0x1;
	p0 =	seq.s32 s7, s2  }
0x1e: {  	s7 =	smul.u32 @!p0 $0xF7A, s2;
	p2 =	seq.s32 @!p0 s5, $0x0  }
0x1f: {  	s9 =	smul.u32 $0xF7A, s1;
	s8 =	simm.s32 @!p0 $0x1BF5;
	p2 =	por !p2, p0  }
0x20: {  	[sflag:s8] =	ssyncset.s32 @!p0 $0xFFFFF086;
	s6 =	sadd.s32 @!p0 s3, s7;
	s7 =	simm.s32 @!p0 $0x108  }
0x21: {  	s3 =	sadd.s32 s3, s9;
	s6 =	sadd.s32 @!p0 $0x88, s6;
	s7 =	simm.s32 @p2 $0x1082  }
0x22: {  	[simem:s7], [sflag:s8] =	dma.local @!p0 [hbm:s6], $0xF7A  }
0x23: {  	s9 =	sor.u32 $0xD0000000, s2;
	s6 =	simm.s32 $0x108;
	_ =	swait.ge @!p0 [sflag:s8], $0x0  }
0x24: {  	s3 =	sadd.s32 $0x88, s3;
	s6 =	simm.s32 @!p1 $0x1082;
	[sflag:s4] =	ssyncset.s32 $0xFFFFF086  }
0x25: {  	[simem:s6], [sflag:s4] =	dma.local [hbm:s3], $0xF7A  }
0x26: {  	[smem:$0x3F9D] =	sst s1;
	(tag) =	ssettag s2;
	_ =	strace s9  }
0x27: {  	s1 =	sld [smem:$0x3FAD]  }
0x28: {  	s2 =	sld [smem:$0x3FAE]  }
0x29: {  	s4 =	sld [smem:$0x3FB0]  }
0x2a: {  	p0 =	seq.s32 s5, $0x0;
	s5 =	sld [smem:$0x3FB1]  }
0x2b: {  	s6 =	sld [smem:$0x3FB2]  }
0x2c: {  	s7 =	sld [smem:$0x3FB3]  }
0x2d: {  	s3 =	simm.s32 $0x108;
	s8 =	sld [smem:$0x3FB4]  }
0x2e: {  	s3 =	simm.s32 @!p0 $0x1082;
	s9 =	sld [smem:$0x3FB5]  }
0x2f: {  	lr =	sadd.s32 s0, s3;
	s0 =	sld [smem:$0x3FAC]  }
0x30: {  	s3 =	sld [smem:$0x3FAF]  }
0x31: {  	[smem:$0x3FB8] =	sst s10  }
0x32: {  	s10 =	sld [smem:$0x3FB6];
	_ =	sdelay $0x3  }
0x33: {  	p0 =	seq.s32 s10, $0x1;
	s10 =	sld [smem:$0x3FB8];
	_ =	sdelay $0x3  }
0x34: {  	[smem:$0x3FB8] =	sst s10  }
0x35: {  	s10 =	sld [smem:$0x3FB7];
	_ =	sdelay $0x3  }
0x36: {  	p1 =	seq.s32 s10, $0x1;
	s10 =	sld [smem:$0x3FB8];
	_ =	sdelay $0x3  }
0x37: {  	[smem:$0x3FB8] =	sst s10  }
0x38: {  	s10 =	sld [smem:$0x3FB9]  }
0x39: {  	_ = 	snop;
	(pc) =	sbr.ind lr, $3  }
0x3a: {  	_ = 	snop  }
0x3b: {  	_ = 	snop  }
0x3c: {  	p2 =	seq.s32 s10, $0x1;
	s10 =	sld [smem:$0x3FB8]  }
0x3d: {  	_ =	shalt  }
0x3e: {  	_ =	shalt  }
0x3f: {  	_ =	shalt  }
0x40: {  	_ =	shalt  }
0x41: {  	_ =	shalt  }
0x42: {  	_ =	shalt  }
0x43: {  	_ =	shalt  }
0x44: {  	_ =	shalt  }
0x45: {  	_ =	shalt  }
0x46: {  	_ =	shalt  }
0x47: {  	_ =	shalt  }
0x48: {  	_ =	shalt  }
0x49: {  	_ =	shalt  }
0x4a: {  	_ =	shalt  }
0x4b: {  	_ =	shalt  }
0x4c: {  	_ =	shalt  }
0x4d: {  	_ =	shalt  }
0x4e: {  	_ =	shalt  }
0x4f: {  	_ =	shalt  }
0x50: {  	_ =	shalt  }
0x51: {  	_ =	shalt  }
0x52: {  	_ =	shalt  }
0x53: {  	_ =	shalt  }
0x54: {  	_ =	shalt  }
0x55: {  	_ =	shalt  }
0x56: {  	_ =	shalt  }
0x57: {  	_ =	shalt  }
0x58: {  	_ =	shalt  }
0x59: {  	_ =	shalt  }
0x5a: {  	_ =	shalt  }
0x5b: {  	_ =	shalt  }
0x5c: {  	_ =	shalt  }
0x5d: {  	_ =	shalt  }
0x5e: {  	_ =	shalt  }
0x5f: {  	_ =	shalt  }
0x60: {  	_ =	shalt  }
0x61: {  	_ =	shalt  }
0x62: {  	_ =	shalt  }
0x63: {  	_ =	shalt  }
0x64: {  	_ =	shalt  }
0x65: {  	_ =	shalt  }
0x66: {  	_ =	shalt  }
0x67: {  	_ =	shalt  }
0x68: {  	_ =	shalt  }
0x69: {  	_ =	shalt  }
0x6a: {  	_ =	shalt  }
0x6b: {  	_ =	shalt  }
0x6c: {  	_ =	shalt  }
0x6d: {  	_ =	shalt  }
0x6e: {  	_ =	shalt  }
0x6f: {  	_ =	shalt  }
0x70: {  	_ =	shalt  }
0x71: {  	_ =	shalt  }
0x72: {  	_ =	shalt  }
0x73: {  	_ =	shalt  }
0x74: {  	_ =	shalt  }
0x75: {  	_ =	shalt  }
0x76: {  	_ =	shalt  }
0x77: {  	_ =	shalt  }
0x78: {  	_ =	shalt  }
0x79: {  	_ =	shalt  }
0x7a: {  	_ =	shalt  }
0x7b: {  	_ =	shalt  }
0x7c: {  	_ =	shalt  }
0x7d: {  	_ =	shalt  }
0x7e: {  	_ =	shalt  }
0x7f: {  	_ =	shalt  }
0x80: {  	_ =	shalt  }
0x81: {  	_ =	shalt  }
0x82: {  	_ =	shalt  }
0x83: {  	_ =	shalt  }
0x84: {  	_ =	shalt  }
0x85: {  	_ =	shalt  }
0x86: {  	_ =	shalt  }
0x87: {  	_ =	shalt  }
.Lfunc_end0:
.L_simem_size_0:
called_computation_lowered:
.L_overlay_start_0:
0x88: {  	s2 =	sld [smem:$0x3FD9]  }
0x89: {  	s3 =	sld [smem:$0x3FFE];
	_ =	sdelay $0x1  }
0x8a: {  	s1 =	srdreg.scid  }
0x8b: {  	s0 =	sand.u32 $0x1, s1  }
0x8c: {  	s17 =	sshll.u32 s0, $0xA;
	s2 =	sadd.s32 s3, s2  }
0x8d: {  	s2 =	sadd.s32 s2, s17  }
0x8e: {  	[smem:$0x3FC4] =	sst s2  }
0x8f: {  	_ = 	snop  }
0x90: {  	s2 =	sld [smem:$0x3FD0];
	(tm) =	ssettm $0x1  }
0x91: {  	s18 =	sld [smem:$0x3FFB];
	_ =	sdelay $0x3  }
0x92: {  	_ =	strace s18  }
0x93: {  	s3 =	sld [smem:$0x3FFC];
	_ =	sdelay $0x3  }
0x94: {  	_ =	strace s3  }
0x95: {  	s3 =	sld [smem:$0x3FFD];
	_ =	sdelay $0x3  }
0x96: {  	_ =	strace s3  }
0x97: {  	_ =	strace $0x8FFFFFFF  }
0x98: {  	s19 =	sld [smem:$0x3FDB];
	_ =	sdelay $0x1  }
0x99: {  	s4 =	simm.s32 $_scs_section_size  }
0x9a: {  	s5 =	simm.s32 $_size__tile_overlayer_lowered;
	s6 =	simm.s32 $_tile_overlayer_lowered  }
0x9b: {  	s22 =	simm.s32 $0x1BFF;
	s21 =	sshll.u32 s6, $0x1;
	s3 =	sadd.s32 s4, s19  }
0x9c: {  	s7 =	simm.s32 $0x0;
	s20 =	sshll.u32 s5, $0x1;
	s5 =	sadd.s32 s21, s3  }
0x9d: {  	[timem:s7], [sflag:s22] =	dma.local [hbm:s5], s20  }
0x9e: {  	_ =	swait.ge [sflag:s22], s20  }
0x9f: {  	s4 =	ssub.s32 $0x0, s20;
	[sflag:s22] =	ssyncset.done $0x0  }
0xa0: {  	[sflag:s22] =	ssyncadd.s32 s4;
	_ =	sdelay $0x1  }
0xa1: {  	s23 =	simm.s32 $0x1B8B  }
0xa2: {  	_ =	swait.ge [sflag:s23], $0x1  }
0xa3: {  	[sflag:s23] =	ssyncset.done $0x0  }
0xa4: {  	s25 =	simm.s32 $0x1B8E;
	s24 =	sld [smem:$0x3FFE];
	[sflag:s23] =	ssyncadd.s32 $0xFFFFFFFF  }
0xa5: {  	s26 =	simm.s32 $execute0_lowered;
	[smem:$0x3FD2] =	sst s25  }
0xa6: {  	s5 =	sshll.u32 s26, $0x1;
	_ =	strace $0x80000046;
	[dreg:$0x1] =	wrdreg $0xFFFFFFFF  }
0xa7: {  	s28 =	simm.s32 $_size_execute0_lowered;
	s3 =	sadd.s32 s3, s5;
	[dreg:$0x0] =	wrdreg $0x0  }
0xa8: {  	s5 =	sshll.u32 s28, $0x1;
	[dreg:$0x2] =	wrdreg s3  }
0xa9: {  	[dreg:$0x3] =	wrdreg s5  }
0xaa: {  	[dreg:$0x4] =	wrdreg $0xC0  }
0xab: {  	_ =	task [dreg:s7], $0x5FFFF  }
0xac: {  	[dreg:$0x1] =	wrdreg $0xFFFFFFFF  }
0xad: {  	[dreg:$0x0] =	wrdreg $0x60  }
0xae: {  	[dreg:$0x2] =	wrdreg s24  }
0xaf: {  	[dreg:$0x3] =	wrdreg s2  }
0xb0: {  	[dreg:$0x4] =	wrdreg $0x9  }
0xb1: {  	_ =	task.clear_ibuf [dreg:s7], $0x5FFFF;
	_ =	strace $0x90000046  }
0xb2: {  	s29 =	simm.s32 $0x9;
	_ =	strace $0x80000048  }
0xb3: {  	_ =	swait.ge [sflag:s29], $0x1  }
0xb4: {  	[sflag:s29] =	ssyncadd.s32 $0xFFFFFFFF  }
0xb5: {  	_ =	strace $0x90000048  }
0xb6: {  	_ =	sfence  }
0xb7: {  	s30 =	sld [smem:$0x0];
	_ =	sdelay $0x2  }
0xb8: {  	s31 =	sshll.u32 s1, $0xD;
	s1 =	sshrl.u32 s1, $0x2  }
0xb9: {  	s3 =	sand.u32 $0x4000, s31;
	s1 =	sadd.s32 s1, s30  }
0xba: {  	s0 =	sor.u32 s3, s0;
	s1 =	sshll.u32 s1, $0x11  }
0xbb: {  	s0 =	sor.u32 s1, s0  }
0xbc: {  	s0 =	sadd.s32 $0x8F2B, s0  }
0xbd: {  	[sflag:s0] =	ssyncadd.remote.s32 $0x1  }
0xbe: {  	_ =	sfence.sel $0xFFFF  }
0xbf: {  	[dreg:$0x0] =	wrdreg $0xFFFFFFFF;
	(pc) =	sbr.abs _section_cstart, $3  }
0xc0: {  	[dreg:$0x1] =	wrdreg $0xFFFFFFFF  }
0xc1: {  	_ =	task.clear_ibuf [dreg:s7], $0x2FFFF;
	_ =	strace $0x9FFFFFFF  }
0xc2: {  	(tm) =	ssettm $0x7FFFFFFF  }
0xc3: {  	_ =	shalt  }
tec
execute0_lowered:
.L_overlay_start_1:
0x0: {  	(tag) =	ssettag $0x1  }
0x1: {  	s0 =	rddreg [dreg:$0x0]  }
0x2: {  	s1 =	rddreg [dreg:$0x1];
	s3 =	srdreg.scid;
	s2 =	simm.s32 $0x0  }
0x3: {  	s4 =	stileid.u32;
	s8 =	simm.s32 $0x14;
	s30 =	simm.s32 $0xB80  }
0x4: {  	s31 =	simm.s32 $0x12400;
	s9 =	simm.s32 $0xC80;
	s10 =	simm.s32 $0x13C00  }
0x5: {  	s11 =	simm.s32 $0xD00;
	s12 =	simm.s32 $0x14800;
	s13 =	simm.s32 $0xD80  }
0x6: {  	s14 =	simm.s32 $0x15400;
	s15 =	simm.s32 $0xE00;
	s16 =	simm.s32 $0x16000  }
0x7: {  	s17 =	simm.s32 $0xE80;
	s18 =	simm.s32 $0x16C00;
	s19 =	simm.s32 $0xF00  }
0x8: {  	s20 =	simm.s32 $0x17800;
	s21 =	simm.s32 $0xF80;
	s22 =	simm.s32 $0x18400  }
0x9: {  	s23 =	simm.s32 $0x1;
	s24 =	simm.s32 $0x0;
	s3 =	sand.u32 $0x1, s3  }
0xa: {  	[smem:$0x7FF] =	sst s2;
	s4 =	sshll.u32 s4, $0x6;
	s5 =	sshll.u32 s3, $0x5  }
0xb: {  	_ =	strace $0x80000047;
	s25 =	ssub.s32 $0x2, s3;
	s4 =	sor.u32 s5, s4  }
0xc: {  	s3 =	sadd.s32 $0x4C00, s0;
	s6 =	sshrl.u32 s25, $0x1;
	s26 =	sshll.u32 s4, $0x4  }
0xd: {  	s7 =	smul.u32 $0x180, s4;
	s29 =	ssub.s32 s25, s6;
	s28 =	sadd.s32 s26, s0  }
0xe: {  	s6 =	smax.u32 s29, $0x1;
	s0 =	simm.s32 $0xC00;
	s4 =	sadd.s32 $0xC00, s28  }
0xf: {  	s5 =	sadd.s32 s1, s7;
	s7 =	simm.s32 $0x2;
	s1 =	simm.s32 $0x13000  }
.LBB2_1:
0x10: {  	[tilespmem:s2], [sflag:$0x2] =	stream.linear.gather [hbm4b:s4+s2], $0x1000, $0x38;
	[tilespmem:$0x19000] =	vst v63  }
0x11: {  	_ =	swait.ge [sflag:s7], $0x1000  }
0x12: {  	[sflag:s7] =	ssyncset.done $0x0  }
0x13: {  	s25 =	simm.s32 $0x1000;
	[sflag:s7] =	ssyncadd.s32 $0xFFFFF000  }
0x14: {  	[tilespmem:s25], [sflag:$0x1] =	stream.indirect.gather [hbm4b:s3+s8], $0x80, s2, s8, $0xb8;
	[tilespmem:$0x19000] =	vst v63  }
0x15: {  	s26 =	simm.s32 $0x80;
	s28 =	simm.s32 $0x1C00  }
0x16: {  	[tilespmem:s28], [sflag:$0x1] =	stream.indirect.gather [hbm4b:s3+s8], $0x80, s26, s8, $0xb8;
	[tilespmem:$0x19000] =	vst v63  }
0x17: {  	s26 =	simm.s32 $0x100;
	s28 =	simm.s32 $0x2800  }
0x18: {  	[tilespmem:s28], [sflag:$0x1] =	stream.indirect.gather [hbm4b:s3+s8], $0x80, s26, s8, $0xb8;
	[tilespmem:$0x19000] =	vst v63  }
0x19: {  	s26 =	simm.s32 $0x180;
	s28 =	simm.s32 $0x3400  }
0x1a: {  	[tilespmem:s28], [sflag:$0x1] =	stream.indirect.gather [hbm4b:s3+s8], $0x80, s26, s8, $0xb8;
	[tilespmem:$0x19000] =	vst v63  }
0x1b: {  	s26 =	simm.s32 $0x200;
	s28 =	simm.s32 $0x4000  }
0x1c: {  	[tilespmem:s28], [sflag:$0x1] =	stream.indirect.gather [hbm4b:s3+s8], $0x80, s26, s8, $0xb8;
	[tilespmem:$0x19000] =	vst v63  }
0x1d: {  	s26 =	simm.s32 $0x280;
	s28 =	simm.s32 $0x4C00  }
0x1e: {  	[tilespmem:s28], [sflag:$0x1] =	stream.indirect.gather [hbm4b:s3+s8], $0x80, s26, s8, $0xb8;
	[tilespmem:$0x19000] =	vst v63  }
0x1f: {  	s26 =	simm.s32 $0x300;
	s28 =	simm.s32 $0x5800  }
0x20: {  	[tilespmem:s28], [sflag:$0x1] =	stream.indirect.gather [hbm4b:s3+s8], $0x80, s26, s8, $0xb8;
	[tilespmem:$0x19000] =	vst v63  }
0x21: {  	s26 =	simm.s32 $0x380;
	s28 =	simm.s32 $0x6400  }
0x22: {  	[tilespmem:s28], [sflag:$0x1] =	stream.indirect.gather [hbm4b:s3+s8], $0x80, s26, s8, $0xb8;
	[tilespmem:$0x19000] =	vst v63  }
0x23: {  	s26 =	simm.s32 $0x400;
	s28 =	simm.s32 $0x7000  }
0x24: {  	[tilespmem:s28], [sflag:$0x1] =	stream.indirect.gather [hbm4b:s3+s8], $0x80, s26, s8, $0xb8;
	[tilespmem:$0x19000] =	vst v63  }
0x25: {  	s26 =	simm.s32 $0x480;
	s28 =	simm.s32 $0x7C00  }
0x26: {  	[tilespmem:s28], [sflag:$0x1] =	stream.indirect.gather [hbm4b:s3+s8], $0x80, s26, s8, $0xb8;
	[tilespmem:$0x19000] =	vst v63  }
0x27: {  	s26 =	simm.s32 $0x500;
	s28 =	simm.s32 $0x8800  }
0x28: {  	[tilespmem:s28], [sflag:$0x1] =	stream.indirect.gather [hbm4b:s3+s8], $0x80, s26, s8, $0xb8;
	[tilespmem:$0x19000] =	vst v63  }
0x29: {  	s26 =	simm.s32 $0x580;
	s28 =	simm.s32 $0x9400  }
0x2a: {  	[tilespmem:s28], [sflag:$0x1] =	stream.indirect.gather [hbm4b:s3+s8], $0x80, s26, s8, $0xb8;
	[tilespmem:$0x19000] =	vst v63  }
0x2b: {  	s26 =	simm.s32 $0x600;
	s28 =	simm.s32 $0xA000  }
0x2c: {  	[tilespmem:s28], [sflag:$0x1] =	stream.indirect.gather [hbm4b:s3+s8], $0x80, s26, s8, $0xb8;
	[tilespmem:$0x19000] =	vst v63  }
0x2d: {  	s26 =	simm.s32 $0x680;
	s28 =	simm.s32 $0xAC00  }
0x2e: {  	[tilespmem:s28], [sflag:$0x1] =	stream.indirect.gather [hbm4b:s3+s8], $0x80, s26, s8, $0xb8;
	[tilespmem:$0x19000] =	vst v63  }
0x2f: {  	s26 =	simm.s32 $0x700;
	s28 =	simm.s32 $0xB800  }
0x30: {  	[tilespmem:s28], [sflag:$0x1] =	stream.indirect.gather [hbm4b:s3+s8], $0x80, s26, s8, $0xb8;
	[tilespmem:$0x19000] =	vst v63  }
0x31: {  	s26 =	simm.s32 $0x780;
	s28 =	simm.s32 $0xC400  }
0x32: {  	[tilespmem:s28], [sflag:$0x1] =	stream.indirect.gather [hbm4b:s3+s8], $0x80, s26, s8, $0xb8;
	[tilespmem:$0x19000] =	vst v63  }
0x33: {  	s26 =	simm.s32 $0x800;
	s28 =	simm.s32 $0xD000  }
0x34: {  	[tilespmem:s28], [sflag:$0x1] =	stream.indirect.gather [hbm4b:s3+s8], $0x80, s26, s8, $0xb8;
	[tilespmem:$0x19000] =	vst v63  }
0x35: {  	s26 =	simm.s32 $0x880;
	s28 =	simm.s32 $0xDC00  }
0x36: {  	[tilespmem:s28], [sflag:$0x1] =	stream.indirect.gather [hbm4b:s3+s8], $0x80, s26, s8, $0xb8;
	[tilespmem:$0x19000] =	vst v63  }
0x37: {  	s26 =	simm.s32 $0x900;
	s28 =	simm.s32 $0xE800  }
0x38: {  	[tilespmem:s28], [sflag:$0x1] =	stream.indirect.gather [hbm4b:s3+s8], $0x80, s26, s8, $0xb8;
	[tilespmem:$0x19000] =	vst v63  }
0x39: {  	s26 =	simm.s32 $0x980;
	s28 =	simm.s32 $0xF400  }
0x3a: {  	[tilespmem:s28], [sflag:$0x1] =	stream.indirect.gather [hbm4b:s3+s8], $0x80, s26, s8, $0xb8;
	[tilespmem:$0x19000] =	vst v63  }
0x3b: {  	s26 =	simm.s32 $0xA00;
	s28 =	simm.s32 $0x10000  }
0x3c: {  	[tilespmem:s28], [sflag:$0x1] =	stream.indirect.gather [hbm4b:s3+s8], $0x80, s26, s8, $0xb8;
	[tilespmem:$0x19000] =	vst v63  }
0x3d: {  	s26 =	simm.s32 $0xA80;
	s28 =	simm.s32 $0x10C00  }
0x3e: {  	[tilespmem:s28], [sflag:$0x1] =	stream.indirect.gather [hbm4b:s3+s8], $0x80, s26, s8, $0xb8;
	[tilespmem:$0x19000] =	vst v63  }
0x3f: {  	s26 =	simm.s32 $0xB00;
	s28 =	simm.s32 $0x11800  }
0x40: {  	[tilespmem:s28], [sflag:$0x1] =	stream.indirect.gather [hbm4b:s3+s8], $0x80, s26, s8, $0xb8;
	[tilespmem:$0x19000] =	vst v63  }
0x41: {  	_ = 	snop  }
0x42: {  	[tilespmem:s31], [sflag:$0x1] =	stream.indirect.gather [hbm4b:s3+s8], $0x80, s30, s8, $0xb8;
	[tilespmem:$0x19000] =	vst v63  }
0x43: {  	_ = 	snop  }
0x44: {  	[tilespmem:s1], [sflag:$0x1] =	stream.indirect.gather [hbm4b:s3+s8], $0x80, s0, s8, $0xb8;
	[tilespmem:$0x19000] =	vst v63  }
0x45: {  	_ = 	snop  }
0x46: {  	[tilespmem:s10], [sflag:$0x1] =	stream.indirect.gather [hbm4b:s3+s8], $0x80, s9, s8, $0xb8;
	[tilespmem:$0x19000] =	vst v63  }
0x47: {  	_ = 	snop  }
0x48: {  	[tilespmem:s12], [sflag:$0x1] =	stream.indirect.gather [hbm4b:s3+s8], $0x80, s11, s8, $0xb8;
	[tilespmem:$0x19000] =	vst v63  }
0x49: {  	_ = 	snop  }
0x4a: {  	[tilespmem:s14], [sflag:$0x1] =	stream.indirect.gather [hbm4b:s3+s8], $0x80, s13, s8, $0xb8;
	[tilespmem:$0x19000] =	vst v63  }
0x4b: {  	_ = 	snop  }
0x4c: {  	[tilespmem:s16], [sflag:$0x1] =	stream.indirect.gather [hbm4b:s3+s8], $0x80, s15, s8, $0xb8;
	[tilespmem:$0x19000] =	vst v63  }
0x4d: {  	_ = 	snop  }
0x4e: {  	[tilespmem:s18], [sflag:$0x1] =	stream.indirect.gather [hbm4b:s3+s8], $0x80, s17, s8, $0xb8;
	[tilespmem:$0x19000] =	vst v63  }
0x4f: {  	_ = 	snop  }
0x50: {  	[tilespmem:s20], [sflag:$0x1] =	stream.indirect.gather [hbm4b:s3+s8], $0x80, s19, s8, $0xb8;
	[tilespmem:$0x19000] =	vst v63  }
0x51: {  	_ = 	snop  }
0x52: {  	[tilespmem:s22], [sflag:$0x1] =	stream.indirect.gather [hbm4b:s3+s8], $0x80, s21, s8, $0xb8;
	[tilespmem:$0x19000] =	vst v63  }
0x53: {  	_ =	swait.ge [sflag:s23], $0xA00  }
0x54: {  	[sflag:s23] =	ssyncset.done $0x0  }
0x55: {  	[sflag:s23] =	ssyncadd.s32 $0xFFFFF600  }
0x56: {  	_ =	swait.ge [sflag:s23], $0xA00  }
0x57: {  	[sflag:s23] =	ssyncset.done $0x0  }
0x58: {  	[sflag:s23] =	ssyncadd.s32 $0xFFFFF600  }
0x59: {  	_ =	swait.ge [sflag:s23], $0xA00  }
0x5a: {  	[sflag:s23] =	ssyncset.done $0x0  }
0x5b: {  	[sflag:s23] =	ssyncadd.s32 $0xFFFFF600  }
0x5c: {  	_ =	swait.ge [sflag:s23], $0xA00  }
0x5d: {  	[sflag:s23] =	ssyncset.done $0x0  }
0x5e: {  	[sflag:s23] =	ssyncadd.s32 $0xFFFFF600  }
0x5f: {  	_ =	swait.ge [sflag:s23], $0xA00  }
0x60: {  	[sflag:s23] =	ssyncset.done $0x0  }
0x61: {  	[sflag:s23] =	ssyncadd.s32 $0xFFFFF600  }
0x62: {  	_ =	swait.ge [sflag:s23], $0xA00  }
0x63: {  	[sflag:s23] =	ssyncset.done $0x0  }
0x64: {  	[sflag:s23] =	ssyncadd.s32 $0xFFFFF600  }
0x65: {  	_ =	swait.ge [sflag:s23], $0xA00  }
0x66: {  	[sflag:s23] =	ssyncset.done $0x0  }
0x67: {  	[sflag:s23] =	ssyncadd.s32 $0xFFFFF600  }
0x68: {  	_ =	swait.ge [sflag:s23], $0xA00  }
0x69: {  	[sflag:s23] =	ssyncset.done $0x0  }
0x6a: {  	[sflag:s23] =	ssyncadd.s32 $0xFFFFF600  }
0x6b: {  	_ =	swait.ge [sflag:s23], $0xA00  }
0x6c: {  	[sflag:s23] =	ssyncset.done $0x0  }
0x6d: {  	[sflag:s23] =	ssyncadd.s32 $0xFFFFF600  }
0x6e: {  	_ =	swait.ge [sflag:s23], $0xA00  }
0x6f: {  	[sflag:s23] =	ssyncset.done $0x0  }
0x70: {  	[sflag:s23] =	ssyncadd.s32 $0xFFFFF600  }
0x71: {  	_ =	swait.ge [sflag:s23], $0xA00  }
0x72: {  	[sflag:s23] =	ssyncset.done $0x0  }
0x73: {  	[sflag:s23] =	ssyncadd.s32 $0xFFFFF600  }
0x74: {  	_ =	swait.ge [sflag:s23], $0xA00  }
0x75: {  	[sflag:s23] =	ssyncset.done $0x0  }
0x76: {  	[sflag:s23] =	ssyncadd.s32 $0xFFFFF600  }
0x77: {  	_ =	swait.ge [sflag:s23], $0xA00  }
0x78: {  	[sflag:s23] =	ssyncset.done $0x0  }
0x79: {  	[sflag:s23] =	ssyncadd.s32 $0xFFFFF600  }
0x7a: {  	_ =	swait.ge [sflag:s23], $0xA00  }
0x7b: {  	[sflag:s23] =	ssyncset.done $0x0  }
0x7c: {  	[sflag:s23] =	ssyncadd.s32 $0xFFFFF600  }
0x7d: {  	_ =	swait.ge [sflag:s23], $0xA00  }
0x7e: {  	[sflag:s23] =	ssyncset.done $0x0  }
0x7f: {  	[sflag:s23] =	ssyncadd.s32 $0xFFFFF600  }
0x80: {  	_ =	swait.ge [sflag:s23], $0xA00  }
0x81: {  	[sflag:s23] =	ssyncset.done $0x0  }
0x82: {  	[sflag:s23] =	ssyncadd.s32 $0xFFFFF600  }
0x83: {  	_ =	swait.ge [sflag:s23], $0xA00  }
0x84: {  	[sflag:s23] =	ssyncset.done $0x0  }
0x85: {  	[sflag:s23] =	ssyncadd.s32 $0xFFFFF600  }
0x86: {  	_ =	swait.ge [sflag:s23], $0xA00  }
0x87: {  	[sflag:s23] =	ssyncset.done $0x0  }
0x88: {  	[sflag:s23] =	ssyncadd.s32 $0xFFFFF600  }
0x89: {  	_ =	swait.ge [sflag:s23], $0xA00  }
0x8a: {  	[sflag:s23] =	ssyncset.done $0x0  }
0x8b: {  	[sflag:s23] =	ssyncadd.s32 $0xFFFFF600  }
0x8c: {  	_ =	swait.ge [sflag:s23], $0xA00  }
0x8d: {  	[sflag:s23] =	ssyncset.done $0x0  }
0x8e: {  	[sflag:s23] =	ssyncadd.s32 $0xFFFFF600  }
0x8f: {  	_ =	swait.ge [sflag:s23], $0xA00  }
0x90: {  	[sflag:s23] =	ssyncset.done $0x0  }
0x91: {  	[sflag:s23] =	ssyncadd.s32 $0xFFFFF600  }
0x92: {  	_ =	swait.ge [sflag:s23], $0xA00  }
0x93: {  	[sflag:s23] =	ssyncset.done $0x0  }
0x94: {  	[sflag:s23] =	ssyncadd.s32 $0xFFFFF600  }
0x95: {  	_ =	swait.ge [sflag:s23], $0xA00  }
0x96: {  	[sflag:s23] =	ssyncset.done $0x0  }
0x97: {  	[sflag:s23] =	ssyncadd.s32 $0xFFFFF600  }
0x98: {  	_ =	swait.ge [sflag:s23], $0xA00  }
0x99: {  	[sflag:s23] =	ssyncset.done $0x0  }
0x9a: {  	[sflag:s23] =	ssyncadd.s32 $0xFFFFF600  }
0x9b: {  	_ =	swait.ge [sflag:s23], $0xA00  }
0x9c: {  	[sflag:s23] =	ssyncset.done $0x0  }
0x9d: {  	[sflag:s23] =	ssyncadd.s32 $0xFFFFF600  }
0x9e: {  	_ =	swait.ge [sflag:s23], $0xA00  }
0x9f: {  	[sflag:s23] =	ssyncset.done $0x0  }
0xa0: {  	[sflag:s23] =	ssyncadd.s32 $0xFFFFF600  }
0xa1: {  	_ =	swait.ge [sflag:s23], $0xA00  }
0xa2: {  	[sflag:s23] =	ssyncset.done $0x0  }
0xa3: {  	[sflag:s23] =	ssyncadd.s32 $0xFFFFF600  }
0xa4: {  	_ =	swait.ge [sflag:s23], $0xA00  }
0xa5: {  	[sflag:s23] =	ssyncset.done $0x0  }
0xa6: {  	[sflag:s23] =	ssyncadd.s32 $0xFFFFF600  }
0xa7: {  	_ =	swait.ge [sflag:s23], $0xA00  }
0xa8: {  	[sflag:s23] =	ssyncset.done $0x0  }
0xa9: {  	[sflag:s23] =	ssyncadd.s32 $0xFFFFF600  }
0xaa: {  	_ =	swait.ge [sflag:s23], $0xA00  }
0xab: {  	[sflag:s23] =	ssyncset.done $0x0  }
0xac: {  	[sflag:s23] =	ssyncadd.s32 $0xFFFFF600  }
0xad: {  	_ =	swait.ge [sflag:s23], $0xA00  }
0xae: {  	[sflag:s23] =	ssyncset.done $0x0  }
0xaf: {  	[sflag:s23] =	ssyncadd.s32 $0xFFFFF600  }
0xb0: {  	_ =	swait.ge [sflag:s23], $0xA00  }
0xb1: {  	s29 =	sadd.s32 $0x0, s5;
	[sflag:s23] =	ssyncset.done $0x0  }
0xb2: {  	s26 =	simm.s32 $0x180;
	s28 =	simm.s32 $0x1C00;
	[sflag:s23] =	ssyncadd.s32 $0xFFFFF600  }
.LBB2_2:
0xb3: {  	[hbm4b:s29+s2] =	stream.linear.scatter [tilespmem:s25], [sflag:$0x2], $0xA00, $0x38;
	[tilespmem:$0x19000] =	vst v63  }
0xb4: {  	s29 =	smov.u32 s26;
	s25 =	smov.u32 s28;
	p0 =	sne.s32 s26, $0x2E80  }
.Ltmp0:
0xb5: {  	s26 =	sadd.s32 $0x180, s26;
	(pc) =	sbr.rel @p0 .LBB2_2-.Ltmp0, $2  }
0xb6: {  	_ =	sdelay $0x2  }
0xb7: {  	s28 =	sadd.s32 $0xC00, s28;
	s29 =	sadd.s32 s29, s5  }
0xb8: {  	s24 =	sadd.s32 $0x1, s24  }
0xb9: {  	p0 =	sne.s32 s24, s6  }
.Ltmp1:
0xba: {  	_ = 	snop;
	(pc) =	sbr.rel @p0 .LBB2_1-.Ltmp1, $4  }
0xbb: {  	[hbm4b:s29+s2] =	stream.linear.scatter [tilespmem:s25], [sflag:$0x2], $0xA00, $0x38;
	[tilespmem:$0x19000] =	vst v63  }
0xbc: {  	_ =	swait.ge [sflag:s7], $0x14000  }
0xbd: {  	[sflag:s7] =	ssyncset.done $0x0  }
0xbe: {  	[sflag:s7] =	ssyncadd.s32 $0xFFFEC000  }
0xbf: {  	_ =	sfence.sel $0x180000  }
0xc0: {  	[bflag:$0x0] =	sbarrier.arrive $0xFFFF  }
0xc1: {  	_ =	strace $0x90000047  }
0xc2: {  	s0 =	stileid.u32;
	[bflag:$0x2] =	sbarrier.arrive $0xFFFF  }
0xc3: {  	p0 =	sne.s32 s0, $0x0;
	s0 =	rddreg [dreg:$0x2]  }
0xc4: {  	s0 =	sadd.s32 @!p0 $0x100000, s0  }
0xc5: {  	[sflag:s0] =	ssyncadd.tile.s32 @!p0 $0x1;
	_ =	shalt  }
.Lfunc_end2:
_tile_overlayer_lowered:
.L_overlay_start_2:
0xc6: {  	(tag) =	ssettag $0x2  }
0xc7: {  	s0 =	rddreg [dreg:$0x0];
	s2 =	stileid.u32  }
0xc8: {  	s1 =	rddreg [dreg:$0x1];
	p0 =	sne.s32 s2, $0x0  }
0xc9: {  	s3 =	rddreg [dreg:$0x2];
	[bflag:$0x3] =	sbarrier.arrive $0xFFFF;
	s2 =	simm.s32 @!p0 $0x1C02  }
0xca: {  	[timem:s3], [sflag:s2] =	dma.local @!p0 [hbm:s0], s1  }
0xcb: {  	s0 =	simm.s32 @!p0 $0x2  }
0xcc: {  	_ =	swait.ge @!p0 [sflag:s0], s1  }
0xcd: {  	s1 =	ssub.s32 @!p0 $0x0, s1;
	[sflag:s0] =	ssyncset.done @!p0 $0x0  }
0xce: {  	[sflag:s0] =	ssyncadd.s32 @!p0 s1  }
0xcf: {  	[bflag:$0x3] =	sbarrier.arrive $0xFFFF  }
0xd0: {  	_ =	shalt  }

</sc_bundles>
